<compile_context>
chip_gen: v7x
topology: tpu7x:2x2x1
jax: 0.10.2.dev20260603
libtpu: 0.0.44.dev20260713+nightly
codegen_flags: <defaults>
</compile_context>

<pallas_src>
import dataclasses
import functools

import jax
import jax.numpy as jnp
from jax import lax
from jax.experimental import pallas as pl
from jax.experimental.pallas import tpu as pltpu
from jax.experimental.pallas import tpu_sc as plsc

_T, _D, _E, _K, _F = 4096, 1024, 8, 2, 512
_S = _T * _K
_BLK = 256
_G = _S // _BLK + _E
_C = _G * _BLK
_GT = 512
_NW = 32
_APW = _S // _NW
_TPW = _T // _NW
_JJ = 4
_AJ = _APW // _JJ


def _sc_compiler_params():
    cp = pltpu.CompilerParams()
    if "needs_layout_passes" in pltpu.CompilerParams.__dataclass_fields__:
        cp = dataclasses.replace(cp, needs_layout_passes=False)
    return cp



def _gate_body(x_ref, wg_ref, ids_ref, rank_ref, topw_ref, counts_ref,
               emap_ref, carr, carrc):
    t = pl.program_id(0)

    @pl.when(t == 0)
    def _():
        carr[...] = jnp.zeros_like(carr)
        carrc[...] = jnp.zeros_like(carrc)

    x = x_ref[...]
    logits = jnp.dot(x, wg_ref[...], preferred_element_type=jnp.float32)
    probs = jax.nn.softmax(logits, axis=-1)
    m1 = jnp.max(probs, axis=-1)
    i1 = jnp.argmax(probs, axis=-1)
    lane8 = lax.broadcasted_iota(jnp.int32, probs.shape, 1)
    probs2 = jnp.where(lane8 == i1[:, None], -jnp.inf, probs)
    m2 = jnp.max(probs2, axis=-1)
    i2 = jnp.argmax(probs2, axis=-1)
    den = m1 + m2

    lane16 = lax.broadcasted_iota(jnp.int32, (_GT, 16), 1)
    oh = ((lane16 == i1[:, None]).astype(jnp.float32)
          + (lane16 == i2[:, None]).astype(jnp.float32))
    row = lax.broadcasted_iota(jnp.int32, (_GT, _GT), 0)
    col = lax.broadcasted_iota(jnp.int32, (_GT, _GT), 1)
    ltri = (col < row).astype(jnp.float32)
    cum = jnp.dot(ltri, oh, preferred_element_type=jnp.float32)
    base = cum + carr[...]
    r1 = jnp.sum(jnp.where(lane16 == i1[:, None], base, 0.0), axis=1)
    r2 = jnp.sum(jnp.where(lane16 == i2[:, None], base, 0.0), axis=1)

    ids_ref[...] = jnp.concatenate([i1[:, None], i2[:, None]], axis=1)
    rank_ref[...] = jnp.concatenate(
        [r1[:, None], r2[:, None]], axis=1).astype(jnp.int32)
    topw_ref[...] = jnp.concatenate(
        [(m1 / den)[:, None], (m2 / den)[:, None]], axis=1)
    newcar = carr[...] + jnp.sum(oh, axis=0, keepdims=True)
    carr[...] = newcar
    counts_ref[...] = newcar.astype(jnp.int32)

    ones_col = jnp.ones((_GT, 1), jnp.float32)
    tile_counts_col = lax.dot_general(
        oh, ones_col, (((0,), (0,)), ((), ())),
        preferred_element_type=jnp.float32)
    newcarc = carrc[...] + tile_counts_col
    carrc[...] = newcarc

    @pl.when(t == _T // _GT - 1)
    def _():
        p_col = jnp.ceil(newcarc / _BLK) * _BLK
        rr = lax.broadcasted_iota(jnp.int32, (16, 16), 0)
        cc = lax.broadcasted_iota(jnp.int32, (16, 16), 1)
        lower_inc = (cc <= rr).astype(jnp.float32)
        pend_col = jnp.dot(lower_inc, p_col,
                           preferred_element_type=jnp.float32)
        ws_row = (lax.broadcasted_iota(jnp.int32, (1, 128), 1)
                  .astype(jnp.float32) * _BLK)
        ge = (pend_col <= ws_row).astype(jnp.float32)
        emap = jnp.dot(jnp.ones((1, 16), jnp.float32), ge,
                       preferred_element_type=jnp.float32)
        emap_ref[...] = emap.astype(jnp.int32)


def _gate(x, Wg):
    return pl.pallas_call(
        _gate_body,
        grid=(_T // _GT,),
        in_specs=[
            pl.BlockSpec((_GT, _D), lambda t: (t, 0)),
            pl.BlockSpec((_D, _E), lambda t: (0, 0)),
        ],
        out_specs=[
            pl.BlockSpec((_GT, _K), lambda t: (t, 0)),
            pl.BlockSpec((_GT, _K), lambda t: (t, 0)),
            pl.BlockSpec((_GT, _K), lambda t: (t, 0)),
            pl.BlockSpec((1, 16), lambda t: (0, 0)),
            pl.BlockSpec((1, 128), lambda t: (0, 0)),
        ],
        out_shape=[
            jax.ShapeDtypeStruct((_T, _K), jnp.int32),
            jax.ShapeDtypeStruct((_T, _K), jnp.int32),
            jax.ShapeDtypeStruct((_T, _K), jnp.float32),
            jax.ShapeDtypeStruct((1, 16), jnp.int32),
            jax.ShapeDtypeStruct((1, 128), jnp.int32),
        ],
        scratch_shapes=[
            pltpu.VMEM((1, 16), jnp.float32),
            pltpu.VMEM((16, 1), jnp.float32),
        ],
        compiler_params=pltpu.CompilerParams(
            dimension_semantics=("arbitrary",),
        ),
    )(x, Wg)



def _dispatch_body(x_hbm, ids_hbm, rank_hbm, counts_hbm,
                   xs_hbm, pos_hbm,
                   ids_v, rank_v, offs_v, pos_v, posf_v, rows_v):
    wid = lax.axis_index("s") * 2 + lax.axis_index("c")
    slot = wid // (_T // _APW)
    tokbase = (wid % (_T // _APW)) * _APW
    abase = slot * _T + tokbase

    pltpu.sync_copy(counts_hbm, offs_v)
    c = offs_v[...]
    p = (c + (_BLK - 1)) // _BLK * _BLK
    incl = plsc.cumsum(p)
    offs_v[...] = incl - p

    pltpu.sync_copy(ids_hbm.at[pl.ds(tokbase * _K, _APW * _K)], ids_v)
    pltpu.sync_copy(rank_hbm.at[pl.ds(tokbase * _K, _APW * _K)], rank_v)

    @pl.loop(0, _JJ)
    def _(j):
        @pl.loop(0, _AJ // 16)
        def _(jj):
            k = j * _AJ + jj * 16
            a16 = (k + jnp.arange(16, dtype=jnp.int32)) * _K + slot
            e16 = plsc.load_gather(ids_v, [a16])
            off16 = plsc.load_gather(offs_v, [e16])
            pos16 = off16 + plsc.load_gather(rank_v, [a16])
            pos_v[j, pl.ds(jj * 16, 16)] = pos16
            posf_v[pl.ds(k, 16)] = pos16
        pltpu.sync_copy(x_hbm.at[pl.ds(tokbase + j * _AJ, _AJ)], rows_v)
        pltpu.sync_copy(rows_v, xs_hbm.at[pos_v.at[j]])

    pltpu.sync_copy(posf_v, pos_hbm.at[pl.ds(abase, _APW)])


def _dispatch(x, ids_f, rank_f, counts16):
    mesh = plsc.VectorSubcoreMesh(core_axis_name="c", subcore_axis_name="s")
    run = functools.partial(
        pl.kernel,
        mesh=mesh,
        out_type=[
            jax.ShapeDtypeStruct((_C, _D // 2), jnp.float32),
            jax.ShapeDtypeStruct((_S,), jnp.int32),
        ],
        scratch_types=[
            pltpu.VMEM((_APW * _K,), jnp.int32),
            pltpu.VMEM((_APW * _K,), jnp.int32),
            pltpu.VMEM((16,), jnp.int32),
            pltpu.VMEM((_JJ, _AJ), jnp.int32),
            pltpu.VMEM((_APW,), jnp.int32),
            pltpu.VMEM((_AJ, _D // 2), jnp.float32),
        ],
        compiler_params=_sc_compiler_params(),
    )(_dispatch_body)
    return run(x, ids_f, rank_f, counts16)



def _pack16(lo_bf, hi_bf):
    lo = lax.bitcast_convert_type(lo_bf, jnp.uint16).astype(jnp.uint32)
    hi = lax.bitcast_convert_type(hi_bf, jnp.uint16).astype(jnp.uint32)
    return lax.bitcast_convert_type(lo | (hi << 16), jnp.float32)


def _unpack16(packed_f32):
    wrd = lax.bitcast_convert_type(packed_f32, jnp.int32)
    lo = lax.bitcast_convert_type(wrd << 16, jnp.float32)
    hi = lax.bitcast_convert_type(wrd & jnp.int32(-65536), jnp.float32)
    return lo, hi


def _gmm_body(emap_ref, xs_ref, w1e_ref, w1o_ref, w3e_ref, w3o_ref, w2_ref,
              oe_ref, w1eb, w1ob, w3eb, w3ob, w2b):
    w = pl.program_id(0)
    e = jnp.minimum(emap_ref[w], _E - 1)
    eprev = jnp.minimum(emap_ref[jnp.maximum(w - 1, 0)], _E - 1)

    @pl.when((w == 0) | (e != eprev))
    def _():
        w1eb[...] = w1e_ref[0].astype(jnp.bfloat16)
        w1ob[...] = w1o_ref[0].astype(jnp.bfloat16)
        w3eb[...] = w3e_ref[0].astype(jnp.bfloat16)
        w3ob[...] = w3o_ref[0].astype(jnp.bfloat16)
        w2b[...] = w2_ref[0].astype(jnp.bfloat16)

    @pl.when(emap_ref[w] < _E)
    def _():
        xlo, xhi = _unpack16(xs_ref[...])
        xe = xlo.astype(jnp.bfloat16)
        xo = xhi.astype(jnp.bfloat16)
        g = (jnp.dot(xe, w1eb[...], preferred_element_type=jnp.float32)
             + jnp.dot(xo, w1ob[...], preferred_element_type=jnp.float32))
        u = (jnp.dot(xe, w3eb[...], preferred_element_type=jnp.float32)
             + jnp.dot(xo, w3ob[...], preferred_element_type=jnp.float32))
        h = (g * jax.nn.sigmoid(g)) * u
        oe = jnp.dot(h.astype(jnp.bfloat16), w2b[...],
                     preferred_element_type=jnp.float32)
        oe_ref[...] = _pack16(oe[:, :_D // 2].astype(jnp.bfloat16),
                              oe[:, _D // 2:].astype(jnp.bfloat16))


def _gmm(emap, xs_p, W1, W3, W2):
    def _whalf(half):
        return pl.BlockSpec(
            (1, _D // 2, _F),
            lambda w, em: (jnp.minimum(em[w], _E - 1), half, 0))
    grid_spec = pltpu.PrefetchScalarGridSpec(
        num_scalar_prefetch=1,
        grid=(_G,),
        in_specs=[
            pl.BlockSpec((_BLK, _D // 2), lambda w, em: (w, 0)),
            _whalf(0), _whalf(1), _whalf(0), _whalf(1),
            pl.BlockSpec((1, _F, _D),
                         lambda w, em: (jnp.minimum(em[w], _E - 1), 0, 0)),
        ],
        out_specs=pl.BlockSpec((_BLK, _D // 2), lambda w, em: (w, 0)),
        scratch_shapes=[
            pltpu.VMEM((_D // 2, _F), jnp.bfloat16),
            pltpu.VMEM((_D // 2, _F), jnp.bfloat16),
            pltpu.VMEM((_D // 2, _F), jnp.bfloat16),
            pltpu.VMEM((_D // 2, _F), jnp.bfloat16),
            pltpu.VMEM((_F, _D), jnp.bfloat16),
        ],
    )
    return pl.pallas_call(
        _gmm_body,
        grid_spec=grid_spec,
        out_shape=jax.ShapeDtypeStruct((_C, _D // 2), jnp.float32),
        compiler_params=pltpu.CompilerParams(
            dimension_semantics=("arbitrary",),
        ),
    )(emap, xs_p, W1, W1, W3, W3, W2)



def _combine_body(oe_hbm, pos_hbm, out0_hbm, out1_hbm,
                  idx0_v, idx1_v, rows_v):
    wid = lax.axis_index("s") * 2 + lax.axis_index("c")
    tbase = wid * _TPW
    pltpu.sync_copy(pos_hbm.at[pl.ds(tbase, _TPW)], idx0_v)
    pltpu.sync_copy(pos_hbm.at[pl.ds(_T + tbase, _TPW)], idx1_v)

    @pl.loop(0, _TPW // _AJ)
    def _(j):
        pltpu.sync_copy(oe_hbm.at[idx0_v.at[pl.ds(j * _AJ, _AJ)]], rows_v)
        pltpu.sync_copy(rows_v, out0_hbm.at[pl.ds(tbase + j * _AJ, _AJ)])
        pltpu.sync_copy(oe_hbm.at[idx1_v.at[pl.ds(j * _AJ, _AJ)]], rows_v)
        pltpu.sync_copy(rows_v, out1_hbm.at[pl.ds(tbase + j * _AJ, _AJ)])


def _combine(oe, pos_f):
    mesh = plsc.VectorSubcoreMesh(core_axis_name="c", subcore_axis_name="s")
    run = functools.partial(
        pl.kernel,
        mesh=mesh,
        out_type=[
            jax.ShapeDtypeStruct((_T, _D // 2), jnp.float32),
            jax.ShapeDtypeStruct((_T, _D // 2), jnp.float32),
        ],
        scratch_types=[
            pltpu.VMEM((_TPW,), jnp.int32),
            pltpu.VMEM((_TPW,), jnp.int32),
            pltpu.VMEM((_AJ, _D // 2), jnp.float32),
        ],
        compiler_params=_sc_compiler_params(),
    )(_combine_body)
    return run(oe, pos_f)



def _scale_body(o0_ref, o1_ref, w_ref, out_ref):
    lo0, hi0 = _unpack16(o0_ref[...])
    lo1, hi1 = _unpack16(o1_ref[...])
    w0 = w_ref[:, 0:1]
    w1 = w_ref[:, 1:2]
    out_ref[...] = jnp.concatenate(
        [lo0 * w0 + lo1 * w1, hi0 * w0 + hi1 * w1], axis=1)


def _scale(out0, out1, topw):
    bt = 512
    return pl.pallas_call(
        _scale_body,
        grid=(_T // bt,),
        in_specs=[
            pl.BlockSpec((bt, _D // 2), lambda t: (t, 0)),
            pl.BlockSpec((bt, _D // 2), lambda t: (t, 0)),
            pl.BlockSpec((bt, _K), lambda t: (t, 0)),
        ],
        out_specs=pl.BlockSpec((bt, _D), lambda t: (t, 0)),
        out_shape=jax.ShapeDtypeStruct((_T, _D), jnp.float32),
        compiler_params=pltpu.CompilerParams(
            dimension_semantics=("arbitrary",),
        ),
    )(out0, out1, topw)



def kernel(hidden_states, Wg, W1, W3, W2):
    x = hidden_states
    ids, rank, topw, counts, emap = _gate(x, Wg)
    ids_f = ids.reshape(_S)
    rank_f = rank.reshape(_S)
    counts16 = counts.reshape(16)

    xb16 = x.astype(jnp.bfloat16)
    lo16 = lax.bitcast_convert_type(xb16[:, :_D // 2], jnp.uint16)
    hi16 = lax.bitcast_convert_type(xb16[:, _D // 2:], jnp.uint16)
    xpacked = lax.bitcast_convert_type(
        lo16.astype(jnp.uint32) | (hi16.astype(jnp.uint32) << 16),
        jnp.float32)
    xs_p, pos_f = _dispatch(xpacked, ids_f, rank_f, counts16)
    oe = _gmm(emap.reshape(128)[:_G], xs_p, W1, W3, W2)
    out0, out1 = _combine(oe, pos_f)
    return _scale(out0, out1, topw)

# --- scband reference (transcript-rebuilt; emitter-appended) ---
"""Pipeline reference for scband-mo-elayer-36438502539324 (READ-ONLY COPY).

The authoritative reference and input builder live on the scoring server;
editing this copy changes nothing except your own understanding.
"""

import jax, jax.numpy as jnp
import numpy as np

T, D, E, K, F = 4096, 1024, 8, 2, 512


def setup_inputs(seed: int = 0) -> dict:
    key = jax.random.key(seed)
    ks = jax.random.split(key, 5)
    hidden_states = jax.random.normal(ks[0], (T, D), dtype=jnp.float32)
    Wg = jax.random.normal(ks[1], (D, E), dtype=jnp.float32) * 0.02
    W1 = jax.random.normal(ks[2], (E, D, F), dtype=jnp.float32) * (1.0 / np.sqrt(D))
    W3 = jax.random.normal(ks[3], (E, D, F), dtype=jnp.float32) * (1.0 / np.sqrt(D))
    W2 = jax.random.normal(ks[4], (E, F, D), dtype=jnp.float32) * (1.0 / np.sqrt(F))
    return {"hidden_states": hidden_states, "Wg": Wg, "W1": W1, "W3": W3, "W2": W2}


def reference(hidden_states, Wg, W1, W3, W2):
    # Gate/router: router_logits = hidden_states @ Wg  (MoELayer._run_gate)
    x = hidden_states
    router_logits = jnp.dot(x, Wg)
    # FusedMoE routed experts in STANDARD mode (no shared experts):
    # softmax -> top-k -> renormalize top-k weights -> expert SwiGLU MLP -> weighted combine
    probs = jax.nn.softmax(router_logits.astype(jnp.float32), axis=-1)
    topk_w, topk_i = jax.lax.top_k(probs, K)
    topk_w = topk_w / jnp.sum(topk_w, axis=-1, keepdims=True)
    # dense combine weights [T, E] built from top-k selection
    combine = jnp.sum(jax.nn.one_hot(topk_i, E, dtype=x.dtype) * topk_w[..., None], axis=1)
    # expert computation (SwiGLU): gate/up projections per expert
    g = jax.nn.silu(jnp.einsum('td,edf->tef', x, W1))
    u = jnp.einsum('td,edf->tef', x, W3)
    h = g * u
    oe = jnp.einsum('tef,efd->ted', h, W2)
    out = jnp.einsum('ted,te->td', oe, combine)
    return out

if __name__ == "__main__":
    import jax
    _d = setup_inputs()
    print(jax.jit(kernel)(*tuple(_d.values())))

</pallas_src>

<mosaic_0001>
#map = affine_map<(d0, d1) -> (0, 0)>
#map1 = affine_map<(d0, d1) -> (0)>
module attributes {stable_mosaic.version = 14 : i64} {
  func.func @_dispatch_body(%arg0: i32, %arg1: i32, %arg2: memref<4096x512xf32, #tpu.memory_space<hbm>>, %arg3: memref<8192xi32, #tpu.memory_space<hbm>>, %arg4: memref<8192xi32, #tpu.memory_space<hbm>>, %arg5: memref<16xi32, #tpu.memory_space<hbm>>, %arg6: memref<10240x512xf32, #tpu.memory_space<hbm>>, %arg7: memref<8192xi32, #tpu.memory_space<hbm>>, %arg8: memref<512xi32, #tpu.memory_space<vmem>>, %arg9: memref<512xi32, #tpu.memory_space<vmem>>, %arg10: memref<16xi32, #tpu.memory_space<vmem>>, %arg11: memref<4x64xi32, #tpu.memory_space<vmem>>, %arg12: memref<256xi32, #tpu.memory_space<vmem>>, %arg13: memref<64x512xf32, #tpu.memory_space<vmem>>) attributes {dimension_semantics = [#tpu.dimension_semantics<core_parallel>, #tpu.dimension_semantics<subcore_parallel>], iteration_bounds = array<i64: 2, 16>, scalar_prefetch = 0 : i64, scratch_operands = 6 : i64, tpu.core_type = #tpu.core_type<sc_vector_subcore>, window_params = [{transform_indices = #map}, {transform_indices = #map1}, {transform_indices = #map1}, {transform_indices = #map1}, {transform_indices = #map}, {transform_indices = #map1}]} {
    %mul3A = arith.constant 2 : i32
    %mul3A_0 = arith.muli %arg1, %mul3A : i32
    %add3A = arith.addi %mul3A_0, %arg0 : i32
    %jit3A = arith.constant 16 : i32
    %div3A = arith.divsi %add3A, %jit3A : i32
    %sign3A = arith.constant 0 : i32
    %sign3A_1 = arith.cmpi sgt, %add3A, %sign3A : i32
    %sign3A_2 = arith.extui %sign3A_1 : i1 to i32
    %sign3A_3 = arith.constant 0 : i32
    %sign3A_4 = arith.cmpi slt, %add3A, %sign3A_3 : i32
    %sign3A_5 = arith.extui %sign3A_4 : i1 to i32
    %sign3A_6 = arith.subi %sign3A_2, %sign3A_5 : i32
    %sign3A_7 = arith.constant 0 : i32
    %sign3A_8 = arith.cmpi sgt, %jit3A, %sign3A_7 : i32
    %sign3A_9 = arith.extui %sign3A_8 : i1 to i32
    %sign3A_10 = arith.constant 0 : i32
    %sign3A_11 = arith.cmpi slt, %jit3A, %sign3A_10 : i32
    %sign3A_12 = arith.extui %sign3A_11 : i1 to i32
    %sign3A_13 = arith.subi %sign3A_9, %sign3A_12 : i32
    %ne3A = arith.cmpi ne, %sign3A_6, %sign3A_13 : i32
    %rem3A = arith.remsi %add3A, %jit3A : i32
    %ne3A_14 = arith.constant 0 : i32
    %ne3A_15 = arith.cmpi ne, %rem3A, %ne3A_14 : i32
    %and3A = arith.andi %ne3A, %ne3A_15 : i1
    %sub3A = arith.constant 1 : i32
    %sub3A_16 = arith.subi %div3A, %sub3A : i32
    %select_n3A = arith.select %and3A, %sub3A_16, %div3A : i32
    %jit3A_17 = arith.constant 16 : i32
    %eq3A = arith.constant 0 : i32
    %eq3A_18 = arith.cmpi eq, %jit3A_17, %eq3A : i32
    %jit3A_19 = arith.constant 1 : i32
    %select_n3A_20 = arith.select %eq3A_18, %jit3A_19, %jit3A_17 : i32
    %rem3A_21 = arith.remsi %add3A, %select_n3A_20 : i32
    %ne3A_22 = arith.constant 0 : i32
    %ne3A_23 = arith.cmpi ne, %rem3A_21, %ne3A_22 : i32
    %lt3A = arith.constant 0 : i32
    %lt3A_24 = arith.cmpi slt, %rem3A_21, %lt3A : i32
    %lt3A_25 = arith.constant 0 : i32
    %lt3A_26 = arith.cmpi slt, %select_n3A_20, %lt3A_25 : i32
    %ne3A_27 = arith.xori %lt3A_24, %lt3A_26 : i1
    %and3A_28 = arith.andi %ne3A_27, %ne3A_23 : i1
    %add3A_29 = arith.addi %rem3A_21, %select_n3A_20 : i32
    %select_n3A_30 = arith.select %and3A_28, %add3A_29, %rem3A_21 : i32
    %mul3A_31 = arith.constant 256 : i32
    %mul3A_32 = arith.muli %select_n3A_30, %mul3A_31 : i32
    %mul3A_33 = arith.constant 4096 : i32
    %mul3A_34 = arith.muli %select_n3A, %mul3A_33 : i32
    %add3A_35 = arith.addi %mul3A_34, %mul3A_32 : i32
    "tpu.region"() ({
      %run_scoped3A = tpu.sem_alloc : memref<!tpu.dma_semaphore, #tpu.memory_space<semaphore_mem>>
      tpu.enqueue_dma source(%arg5 : memref<16xi32, #tpu.memory_space<hbm>>) target(%arg10 : memref<16xi32, #tpu.memory_space<vmem>>) target_semaphore(%run_scoped3A : memref<!tpu.dma_semaphore, #tpu.memory_space<semaphore_mem>>)
      tpu.wait_dma2 semaphore(%run_scoped3A : memref<!tpu.dma_semaphore, #tpu.memory_space<semaphore_mem>>) src(%arg5 : memref<16xi32, #tpu.memory_space<hbm>>) dst(%arg10 : memref<16xi32, #tpu.memory_space<vmem>>)
      tpu.yield
    }) : () -> ()
    %get3A = arith.constant 0 : index
    %get3A_36 = tpu.vector_load %arg10[%get3A] {strides = array<i32>} : memref<16xi32, #tpu.memory_space<vmem>>, vector<16xi32>,
    %add3A_37 = arith.constant 255 : i32
    %add3A_38 = vector.broadcast %add3A_37 : i32 to vector<16xi32>
    %add3A_39 = arith.addi %get3A_36, %add3A_38 : vector<16xi32>
    %jit3A_40 = arith.constant 256 : i32
    %div3A_41 = vector.broadcast %jit3A_40 : i32 to vector<16xi32>
    %div3A_42 = arith.divsi %add3A_39, %div3A_41 : vector<16xi32>
    %sign3A_43 = arith.constant 0 : i32
    %sign3A_44 = vector.broadcast %sign3A_43 : i32 to vector<16xi32>
    %sign3A_45 = arith.cmpi sgt, %add3A_39, %sign3A_44 : vector<16xi32>
    %sign3A_46 = arith.extui %sign3A_45 : vector<16xi1> to vector<16xi32>
    %sign3A_47 = arith.constant 0 : i32
    %sign3A_48 = vector.broadcast %sign3A_47 : i32 to vector<16xi32>
    %sign3A_49 = arith.cmpi slt, %add3A_39, %sign3A_48 : vector<16xi32>
    %sign3A_50 = arith.extui %sign3A_49 : vector<16xi1> to vector<16xi32>
    %sign3A_51 = arith.subi %sign3A_46, %sign3A_50 : vector<16xi32>
    %sign3A_52 = arith.constant 0 : i32
    %sign3A_53 = arith.cmpi sgt, %jit3A_40, %sign3A_52 : i32
    %sign3A_54 = arith.extui %sign3A_53 : i1 to i32
    %sign3A_55 = arith.constant 0 : i32
    %sign3A_56 = arith.cmpi slt, %jit3A_40, %sign3A_55 : i32
    %sign3A_57 = arith.extui %sign3A_56 : i1 to i32
    %sign3A_58 = arith.subi %sign3A_54, %sign3A_57 : i32
    %ne3A_59 = vector.broadcast %sign3A_58 : i32 to vector<16xi32>
    %ne3A_60 = arith.cmpi ne, %sign3A_51, %ne3A_59 : vector<16xi32>
    %rem3A_61 = vector.broadcast %jit3A_40 : i32 to vector<16xi32>
    %rem3A_62 = arith.remsi %add3A_39, %rem3A_61 : vector<16xi32>
    %ne3A_63 = arith.constant 0 : i32
    %ne3A_64 = vector.broadcast %ne3A_63 : i32 to vector<16xi32>
    %ne3A_65 = arith.cmpi ne, %rem3A_62, %ne3A_64 : vector<16xi32>
    %and3A_66 = arith.andi %ne3A_60, %ne3A_65 : vector<16xi1>
    %sub3A_67 = arith.constant 1 : i32
    %sub3A_68 = vector.broadcast %sub3A_67 : i32 to vector<16xi32>
    %sub3A_69 = arith.subi %div3A_42, %sub3A_68 : vector<16xi32>
    %select_n3A_70 = arith.select %and3A_66, %sub3A_69, %div3A_42 : vector<16xi1>, vector<16xi32>
    %mul3A_71 = arith.constant 256 : i32
    %mul3A_72 = vector.broadcast %mul3A_71 : i32 to vector<16xi32>
    %mul3A_73 = arith.muli %select_n3A_70, %mul3A_72 : vector<16xi32>
    %broadcast_in_dim3A = arith.constant true
    %broadcast_in_dim3A_74 = vector.broadcast %broadcast_in_dim3A : i1 to vector<16xi1>
    %masked_cumsum3A = tpu.scan <sum>, %mul3A_73 masked %broadcast_in_dim3A_74 : vector<16xi32>, vector<16xi1> -> vector<16xi32>
    %sub3A_75 = arith.subi %masked_cumsum3A, %mul3A_73 : vector<16xi32>
    %swap3A = arith.constant 0 : index
    %swap3A_76 = tpu.vector_load %arg10[%swap3A] {strides = array<i32>} : memref<16xi32, #tpu.memory_space<vmem>>, vector<16xi32>,
    tpu.vector_store %arg10[%swap3A], %sub3A_75 {strides = array<i32>} : memref<16xi32, #tpu.memory_space<vmem>>, vector<16xi32>,
    %mul3A_77 = arith.constant 2 : i32
    %mul3A_78 = arith.muli %mul3A_32, %mul3A_77 : i32
    "tpu.region"() ({
      %run_scoped3A = tpu.sem_alloc : memref<!tpu.dma_semaphore, #tpu.memory_space<semaphore_mem>>
      %dma_start3A = tpu.memref_slice %arg3[%mul3A_78] : memref<8192xi32, #tpu.memory_space<hbm>> -> memref<512xi32, #tpu.memory_space<hbm>>
      %dma_start3A_85 = tpu.memref_slice %arg3[%mul3A_78] : memref<8192xi32, #tpu.memory_space<hbm>> -> memref<512xi32, #tpu.memory_space<hbm>>
      tpu.enqueue_dma source(%dma_start3A_85 : memref<512xi32, #tpu.memory_space<hbm>>) target(%arg8 : memref<512xi32, #tpu.memory_space<vmem>>) target_semaphore(%run_scoped3A : memref<!tpu.dma_semaphore, #tpu.memory_space<semaphore_mem>>)
      %dma_wait3A = tpu.memref_slice %arg3[%mul3A_78] : memref<8192xi32, #tpu.memory_space<hbm>> -> memref<512xi32, #tpu.memory_space<hbm>>
      %dma_wait3A_86 = tpu.memref_slice %arg3[%mul3A_78] : memref<8192xi32, #tpu.memory_space<hbm>> -> memref<512xi32, #tpu.memory_space<hbm>>
      tpu.wait_dma2 semaphore(%run_scoped3A : memref<!tpu.dma_semaphore, #tpu.memory_space<semaphore_mem>>) src(%dma_wait3A_86 : memref<512xi32, #tpu.memory_space<hbm>>) dst(%arg8 : memref<512xi32, #tpu.memory_space<vmem>>)
      tpu.yield
    }) : () -> ()
    %mul3A_79 = arith.constant 2 : i32
    %mul3A_80 = arith.muli %mul3A_32, %mul3A_79 : i32
    "tpu.region"() ({
      %run_scoped3A = tpu.sem_alloc : memref<!tpu.dma_semaphore, #tpu.memory_space<semaphore_mem>>
      %dma_start3A = tpu.memref_slice %arg4[%mul3A_80] : memref<8192xi32, #tpu.memory_space<hbm>> -> memref<512xi32, #tpu.memory_space<hbm>>
      %dma_start3A_85 = tpu.memref_slice %arg4[%mul3A_80] : memref<8192xi32, #tpu.memory_space<hbm>> -> memref<512xi32, #tpu.memory_space<hbm>>
      tpu.enqueue_dma source(%dma_start3A_85 : memref<512xi32, #tpu.memory_space<hbm>>) target(%arg9 : memref<512xi32, #tpu.memory_space<vmem>>) target_semaphore(%run_scoped3A : memref<!tpu.dma_semaphore, #tpu.memory_space<semaphore_mem>>)
      %dma_wait3A = tpu.memref_slice %arg4[%mul3A_80] : memref<8192xi32, #tpu.memory_space<hbm>> -> memref<512xi32, #tpu.memory_space<hbm>>
      %dma_wait3A_86 = tpu.memref_slice %arg4[%mul3A_80] : memref<8192xi32, #tpu.memory_space<hbm>> -> memref<512xi32, #tpu.memory_space<hbm>>
      tpu.wait_dma2 semaphore(%run_scoped3A : memref<!tpu.dma_semaphore, #tpu.memory_space<semaphore_mem>>) src(%dma_wait3A_86 : memref<512xi32, #tpu.memory_space<hbm>>) dst(%arg9 : memref<512xi32, #tpu.memory_space<vmem>>)
      tpu.yield
    }) : () -> ()
    %scan3A = arith.constant 0 : i32
    %scan3A_81 = arith.constant 4 : i32
    %scan3A_82 = arith.addi %scan3A, %scan3A_81 : i32
    %scan3A_83 = arith.constant 1 : i32
    scf.for %scan3A_85 = %scan3A to %scan3A_82 step %scan3A_83  : i32 {
      %mul3A_86 = arith.constant 1 : i32
      %mul3A_87 = arith.muli %scan3A_85, %mul3A_86 : i32
      %add3A_88 = arith.constant 0 : i32
      %add3A_89 = arith.addi %add3A_88, %mul3A_87 : i32
      %scan3A_90 = arith.constant 0 : i32
      %scan3A_91 = arith.constant 4 : i32
      %scan3A_92 = arith.addi %scan3A_90, %scan3A_91 : i32
      %scan3A_93 = arith.constant 1 : i32
      scf.for %scan3A_98 = %scan3A_90 to %scan3A_92 step %scan3A_93  : i32 {
        %mul3A_99 = arith.constant 1 : i32
        %mul3A_100 = arith.muli %scan3A_98, %mul3A_99 : i32
        %add3A_101 = arith.constant 0 : i32
        %add3A_102 = arith.addi %add3A_101, %mul3A_100 : i32
        %mul3A_103 = arith.constant 64 : i32
        %mul3A_104 = arith.muli %add3A_89, %mul3A_103 : i32
        %mul3A_105 = arith.constant 16 : i32
        %mul3A_106 = arith.muli %add3A_102, %mul3A_105 : i32
        %add3A_107 = arith.addi %mul3A_104, %mul3A_106 : i32
        %iota3A = tpu.iota {dimensions = array<i32: 0>} : vector<16xi32>
        %add3A_108 = vector.broadcast %add3A_107 : i32 to vector<16xi32>
        %add3A_109 = arith.addi %add3A_108, %iota3A : vector<16xi32>
        %mul3A_110 = arith.constant 2 : i32
        %mul3A_111 = vector.broadcast %mul3A_110 : i32 to vector<16xi32>
        %mul3A_112 = arith.muli %add3A_109, %mul3A_111 : vector<16xi32>
        %add3A_113 = vector.broadcast %select_n3A : i32 to vector<16xi32>
        %add3A_114 = arith.addi %mul3A_112, %add3A_113 : vector<16xi32>
        %gather3A = tpu.vector_load_idx %arg8[%add3A_114] : memref<512xi32, #tpu.memory_space<vmem>>[vector<16xi32>], vector<16xi32>,
        %gather3A_115 = tpu.vector_load_idx %arg10[%gather3A] : memref<16xi32, #tpu.memory_space<vmem>>[vector<16xi32>], vector<16xi32>,
        %gather3A_116 = tpu.vector_load_idx %arg9[%add3A_114] : memref<512xi32, #tpu.memory_space<vmem>>[vector<16xi32>], vector<16xi32>,
        %add3A_117 = arith.addi %gather3A_115, %gather3A_116 : vector<16xi32>
        %mul3A_118 = arith.constant 16 : i32
        %mul3A_119 = arith.muli %add3A_102, %mul3A_118 : i32
        %swap3A_120 = arith.index_cast %add3A_89 : i32 to index
        %swap3A_121 = arith.index_cast %mul3A_119 : i32 to index
        %swap3A_122 = tpu.vector_load %arg11[%swap3A_120, %swap3A_121] {strides = array<i32>} : memref<4x64xi32, #tpu.memory_space<vmem>>, vector<16xi32>,
        tpu.vector_store %arg11[%swap3A_120, %swap3A_121], %add3A_117 {strides = array<i32>} : memref<4x64xi32, #tpu.memory_space<vmem>>, vector<16xi32>,
        %swap3A_123 = arith.index_cast %add3A_107 : i32 to index
        %swap3A_124 = tpu.vector_load %arg12[%swap3A_123] {strides = array<i32>} : memref<256xi32, #tpu.memory_space<vmem>>, vector<16xi32>,
        tpu.vector_store %arg12[%swap3A_123], %add3A_117 {strides = array<i32>} : memref<256xi32, #tpu.memory_space<vmem>>, vector<16xi32>,
      }
      %scan3A_94 = arith.constant 4 : i32
      %mul3A_95 = arith.constant 64 : i32
      %mul3A_96 = arith.muli %add3A_89, %mul3A_95 : i32
      %add3A_97 = arith.addi %mul3A_32, %mul3A_96 : i32
      "tpu.region"() ({
        %run_scoped3A = tpu.sem_alloc : memref<!tpu.dma_semaphore, #tpu.memory_space<semaphore_mem>>
        %dma_start3A = arith.constant 0 : i32
        %dma_start3A_98 = tpu.memref_slice %arg2[%add3A_97, %dma_start3A] : memref<4096x512xf32, #tpu.memory_space<hbm>> -> memref<64x512xf32, #tpu.memory_space<hbm>>
        %dma_start3A_99 = arith.constant 0 : i32
        %dma_start3A_100 = tpu.memref_slice %arg2[%add3A_97, %dma_start3A_99] : memref<4096x512xf32, #tpu.memory_space<hbm>> -> memref<64x512xf32, #tpu.memory_space<hbm>>
        tpu.enqueue_dma source(%dma_start3A_100 : memref<64x512xf32, #tpu.memory_space<hbm>>) target(%arg13 : memref<64x512xf32, #tpu.memory_space<vmem>>) target_semaphore(%run_scoped3A : memref<!tpu.dma_semaphore, #tpu.memory_space<semaphore_mem>>)
        %dma_wait3A = arith.constant 0 : i32
        %dma_wait3A_101 = tpu.memref_slice %arg2[%add3A_97, %dma_wait3A] : memref<4096x512xf32, #tpu.memory_space<hbm>> -> memref<64x512xf32, #tpu.memory_space<hbm>>
        %dma_wait3A_102 = arith.constant 0 : i32
        %dma_wait3A_103 = tpu.memref_slice %arg2[%add3A_97, %dma_wait3A_102] : memref<4096x512xf32, #tpu.memory_space<hbm>> -> memref<64x512xf32, #tpu.memory_space<hbm>>
        tpu.wait_dma2 semaphore(%run_scoped3A : memref<!tpu.dma_semaphore, #tpu.memory_space<semaphore_mem>>) src(%dma_wait3A_103 : memref<64x512xf32, #tpu.memory_space<hbm>>) dst(%arg13 : memref<64x512xf32, #tpu.memory_space<vmem>>)
        tpu.yield
      }) : () -> ()
      "tpu.region"() ({
        %run_scoped3A = tpu.sem_alloc : memref<!tpu.dma_semaphore, #tpu.memory_space<semaphore_mem>>
        %dma_start3A = arith.constant 0 : i32
        %dma_start3A_98 = tpu.memref_slice %arg11[%add3A_89, %dma_start3A] : memref<4x64xi32, #tpu.memory_space<vmem>> -> memref<1x64xi32, #tpu.memory_space<vmem>>
        %dma_start3A_99 = tpu.memref_squeeze %dma_start3A_98 : memref<1x64xi32, #tpu.memory_space<vmem>> -> memref<64xi32, #tpu.memory_space<vmem>>
        %dma_start3A_100 = arith.constant 0 : i32
        %dma_start3A_101 = arith.constant 0 : i32
        %dma_start3A_102 = tpu.memref_slice %arg6[%dma_start3A_100, %dma_start3A_101] : memref<10240x512xf32, #tpu.memory_space<hbm>> -> memref<10240x512xf32, #tpu.memory_space<hbm>>
        tpu.enqueue_indirect_dma source(%arg13 : memref<64x512xf32, #tpu.memory_space<vmem>>) target(%dma_start3A_102 : memref<10240x512xf32, #tpu.memory_space<hbm>>) offsets(%dma_start3A_99 : memref<64xi32, #tpu.memory_space<vmem>>) semaphore(%run_scoped3A : memref<!tpu.dma_semaphore, #tpu.memory_space<semaphore_mem>>)
        %dma_wait3A = arith.constant 0 : i32
        %dma_wait3A_103 = tpu.memref_slice %arg11[%add3A_89, %dma_wait3A] : memref<4x64xi32, #tpu.memory_space<vmem>> -> memref<1x64xi32, #tpu.memory_space<vmem>>
        %dma_wait3A_104 = tpu.memref_squeeze %dma_wait3A_103 : memref<1x64xi32, #tpu.memory_space<vmem>> -> memref<64xi32, #tpu.memory_space<vmem>>
        %dma_wait3A_105 = arith.constant 0 : i32
        %dma_wait3A_106 = arith.constant 0 : i32
        %dma_wait3A_107 = tpu.memref_slice %arg6[%dma_wait3A_105, %dma_wait3A_106] : memref<10240x512xf32, #tpu.memory_space<hbm>> -> memref<10240x512xf32, #tpu.memory_space<hbm>>
        tpu.wait_indirect_dma semaphore(%run_scoped3A : memref<!tpu.dma_semaphore, #tpu.memory_space<semaphore_mem>>) src(%arg13 : memref<64x512xf32, #tpu.memory_space<vmem>>) dst(%dma_wait3A_107 : memref<10240x512xf32, #tpu.memory_space<hbm>>)
        tpu.yield
      }) : () -> ()
    }
    %scan3A_84 = arith.constant 4 : i32
    "tpu.region"() ({
      %run_scoped3A = tpu.sem_alloc : memref<!tpu.dma_semaphore, #tpu.memory_space<semaphore_mem>>
      %dma_start3A = tpu.memref_slice %arg7[%add3A_35] : memref<8192xi32, #tpu.memory_space<hbm>> -> memref<256xi32, #tpu.memory_space<hbm>>
      %dma_start3A_85 = tpu.memref_slice %arg7[%add3A_35] : memref<8192xi32, #tpu.memory_space<hbm>> -> memref<256xi32, #tpu.memory_space<hbm>>
      tpu.enqueue_dma source(%arg12 : memref<256xi32, #tpu.memory_space<vmem>>) target(%dma_start3A_85 : memref<256xi32, #tpu.memory_space<hbm>>) target_semaphore(%run_scoped3A : memref<!tpu.dma_semaphore, #tpu.memory_space<semaphore_mem>>)
      %dma_wait3A = tpu.memref_slice %arg7[%add3A_35] : memref<8192xi32, #tpu.memory_space<hbm>> -> memref<256xi32, #tpu.memory_space<hbm>>
      %dma_wait3A_86 = tpu.memref_slice %arg7[%add3A_35] : memref<8192xi32, #tpu.memory_space<hbm>> -> memref<256xi32, #tpu.memory_space<hbm>>
      tpu.wait_dma2 semaphore(%run_scoped3A : memref<!tpu.dma_semaphore, #tpu.memory_space<semaphore_mem>>) src(%arg12 : memref<256xi32, #tpu.memory_space<vmem>>) dst(%dma_wait3A_86 : memref<256xi32, #tpu.memory_space<hbm>>)
      tpu.yield
    }) : () -> ()
    return
  }
}

#map = affine_map<(d0, d1) -> (0, 0)>
#map1 = affine_map<(d0, d1) -> (0)>
module attributes {stable_mosaic.version = 14 : i64} {
  func.func @_combine_body(%arg0: i32, %arg1: i32, %arg2: memref<10240x512xf32, #tpu.memory_space<hbm>>, %arg3: memref<8192xi32, #tpu.memory_space<hbm>>, %arg4: memref<4096x512xf32, #tpu.memory_space<hbm>>, %arg5: memref<4096x512xf32, #tpu.memory_space<hbm>>, %arg6: memref<128xi32, #tpu.memory_space<vmem>>, %arg7: memref<128xi32, #tpu.memory_space<vmem>>, %arg8: memref<64x512xf32, #tpu.memory_space<vmem>>) attributes {dimension_semantics = [#tpu.dimension_semantics<core_parallel>, #tpu.dimension_semantics<subcore_parallel>], iteration_bounds = array<i64: 2, 16>, scalar_prefetch = 0 : i64, scratch_operands = 3 : i64, tpu.core_type = #tpu.core_type<sc_vector_subcore>, window_params = [{transform_indices = #map}, {transform_indices = #map1}, {transform_indices = #map}, {transform_indices = #map}]} {
    %mul3A = arith.constant 2 : i32
    %mul3A_0 = arith.muli %arg1, %mul3A : i32
    %add3A = arith.addi %mul3A_0, %arg0 : i32
    %mul3A_1 = arith.constant 128 : i32
    %mul3A_2 = arith.muli %add3A, %mul3A_1 : i32
    "tpu.region"() ({
      %run_scoped3A = tpu.sem_alloc : memref<!tpu.dma_semaphore, #tpu.memory_space<semaphore_mem>>
      %dma_start3A = tpu.memref_slice %arg3[%mul3A_2] : memref<8192xi32, #tpu.memory_space<hbm>> -> memref<128xi32, #tpu.memory_space<hbm>>
      %dma_start3A_9 = tpu.memref_slice %arg3[%mul3A_2] : memref<8192xi32, #tpu.memory_space<hbm>> -> memref<128xi32, #tpu.memory_space<hbm>>
      tpu.enqueue_dma source(%dma_start3A_9 : memref<128xi32, #tpu.memory_space<hbm>>) target(%arg6 : memref<128xi32, #tpu.memory_space<vmem>>) target_semaphore(%run_scoped3A : memref<!tpu.dma_semaphore, #tpu.memory_space<semaphore_mem>>)
      %dma_wait3A = tpu.memref_slice %arg3[%mul3A_2] : memref<8192xi32, #tpu.memory_space<hbm>> -> memref<128xi32, #tpu.memory_space<hbm>>
      %dma_wait3A_10 = tpu.memref_slice %arg3[%mul3A_2] : memref<8192xi32, #tpu.memory_space<hbm>> -> memref<128xi32, #tpu.memory_space<hbm>>
      tpu.wait_dma2 semaphore(%run_scoped3A : memref<!tpu.dma_semaphore, #tpu.memory_space<semaphore_mem>>) src(%dma_wait3A_10 : memref<128xi32, #tpu.memory_space<hbm>>) dst(%arg6 : memref<128xi32, #tpu.memory_space<vmem>>)
      tpu.yield
    }) : () -> ()
    %add3A_3 = arith.constant 4096 : i32
    %add3A_4 = arith.addi %add3A_3, %mul3A_2 : i32
    "tpu.region"() ({
      %run_scoped3A = tpu.sem_alloc : memref<!tpu.dma_semaphore, #tpu.memory_space<semaphore_mem>>
      %dma_start3A = tpu.memref_slice %arg3[%add3A_4] : memref<8192xi32, #tpu.memory_space<hbm>> -> memref<128xi32, #tpu.memory_space<hbm>>
      %dma_start3A_9 = tpu.memref_slice %arg3[%add3A_4] : memref<8192xi32, #tpu.memory_space<hbm>> -> memref<128xi32, #tpu.memory_space<hbm>>
      tpu.enqueue_dma source(%dma_start3A_9 : memref<128xi32, #tpu.memory_space<hbm>>) target(%arg7 : memref<128xi32, #tpu.memory_space<vmem>>) target_semaphore(%run_scoped3A : memref<!tpu.dma_semaphore, #tpu.memory_space<semaphore_mem>>)
      %dma_wait3A = tpu.memref_slice %arg3[%add3A_4] : memref<8192xi32, #tpu.memory_space<hbm>> -> memref<128xi32, #tpu.memory_space<hbm>>
      %dma_wait3A_10 = tpu.memref_slice %arg3[%add3A_4] : memref<8192xi32, #tpu.memory_space<hbm>> -> memref<128xi32, #tpu.memory_space<hbm>>
      tpu.wait_dma2 semaphore(%run_scoped3A : memref<!tpu.dma_semaphore, #tpu.memory_space<semaphore_mem>>) src(%dma_wait3A_10 : memref<128xi32, #tpu.memory_space<hbm>>) dst(%arg7 : memref<128xi32, #tpu.memory_space<vmem>>)
      tpu.yield
    }) : () -> ()
    %scan3A = arith.constant 0 : i32
    %scan3A_5 = arith.constant 2 : i32
    %scan3A_6 = arith.addi %scan3A, %scan3A_5 : i32
    %scan3A_7 = arith.constant 1 : i32
    scf.for %scan3A_9 = %scan3A to %scan3A_6 step %scan3A_7  : i32 {
      %mul3A_10 = arith.constant 1 : i32
      %mul3A_11 = arith.muli %scan3A_9, %mul3A_10 : i32
      %add3A_12 = arith.constant 0 : i32
      %add3A_13 = arith.addi %add3A_12, %mul3A_11 : i32
      %mul3A_14 = arith.constant 64 : i32
      %mul3A_15 = arith.muli %add3A_13, %mul3A_14 : i32
      "tpu.region"() ({
        %run_scoped3A = tpu.sem_alloc : memref<!tpu.dma_semaphore, #tpu.memory_space<semaphore_mem>>
        %dma_start3A = tpu.memref_slice %arg6[%mul3A_15] : memref<128xi32, #tpu.memory_space<vmem>> -> memref<64xi32, #tpu.memory_space<vmem>>
        %dma_start3A_24 = arith.constant 0 : i32
        %dma_start3A_25 = arith.constant 0 : i32
        %dma_start3A_26 = tpu.memref_slice %arg2[%dma_start3A_24, %dma_start3A_25] : memref<10240x512xf32, #tpu.memory_space<hbm>> -> memref<10240x512xf32, #tpu.memory_space<hbm>>
        tpu.enqueue_indirect_dma source(%dma_start3A_26 : memref<10240x512xf32, #tpu.memory_space<hbm>>) target(%arg8 : memref<64x512xf32, #tpu.memory_space<vmem>>) offsets(%dma_start3A : memref<64xi32, #tpu.memory_space<vmem>>) semaphore(%run_scoped3A : memref<!tpu.dma_semaphore, #tpu.memory_space<semaphore_mem>>)
        %dma_wait3A = tpu.memref_slice %arg6[%mul3A_15] : memref<128xi32, #tpu.memory_space<vmem>> -> memref<64xi32, #tpu.memory_space<vmem>>
        %dma_wait3A_27 = arith.constant 0 : i32
        %dma_wait3A_28 = arith.constant 0 : i32
        %dma_wait3A_29 = tpu.memref_slice %arg2[%dma_wait3A_27, %dma_wait3A_28] : memref<10240x512xf32, #tpu.memory_space<hbm>> -> memref<10240x512xf32, #tpu.memory_space<hbm>>
        tpu.wait_indirect_dma semaphore(%run_scoped3A : memref<!tpu.dma_semaphore, #tpu.memory_space<semaphore_mem>>) src(%dma_wait3A_29 : memref<10240x512xf32, #tpu.memory_space<hbm>>) dst(%arg8 : memref<64x512xf32, #tpu.memory_space<vmem>>)
        tpu.yield
      }) : () -> ()
      %mul3A_16 = arith.constant 64 : i32
      %mul3A_17 = arith.muli %add3A_13, %mul3A_16 : i32
      %add3A_18 = arith.addi %mul3A_2, %mul3A_17 : i32
      "tpu.region"() ({
        %run_scoped3A = tpu.sem_alloc : memref<!tpu.dma_semaphore, #tpu.memory_space<semaphore_mem>>
        %dma_start3A = arith.constant 0 : i32
        %dma_start3A_24 = tpu.memref_slice %arg4[%add3A_18, %dma_start3A] : memref<4096x512xf32, #tpu.memory_space<hbm>> -> memref<64x512xf32, #tpu.memory_space<hbm>>
        %dma_start3A_25 = arith.constant 0 : i32
        %dma_start3A_26 = tpu.memref_slice %arg4[%add3A_18, %dma_start3A_25] : memref<4096x512xf32, #tpu.memory_space<hbm>> -> memref<64x512xf32, #tpu.memory_space<hbm>>
        tpu.enqueue_dma source(%arg8 : memref<64x512xf32, #tpu.memory_space<vmem>>) target(%dma_start3A_26 : memref<64x512xf32, #tpu.memory_space<hbm>>) target_semaphore(%run_scoped3A : memref<!tpu.dma_semaphore, #tpu.memory_space<semaphore_mem>>)
        %dma_wait3A = arith.constant 0 : i32
        %dma_wait3A_27 = tpu.memref_slice %arg4[%add3A_18, %dma_wait3A] : memref<4096x512xf32, #tpu.memory_space<hbm>> -> memref<64x512xf32, #tpu.memory_space<hbm>>
        %dma_wait3A_28 = arith.constant 0 : i32
        %dma_wait3A_29 = tpu.memref_slice %arg4[%add3A_18, %dma_wait3A_28] : memref<4096x512xf32, #tpu.memory_space<hbm>> -> memref<64x512xf32, #tpu.memory_space<hbm>>
        tpu.wait_dma2 semaphore(%run_scoped3A : memref<!tpu.dma_semaphore, #tpu.memory_space<semaphore_mem>>) src(%arg8 : memref<64x512xf32, #tpu.memory_space<vmem>>) dst(%dma_wait3A_29 : memref<64x512xf32, #tpu.memory_space<hbm>>)
        tpu.yield
      }) : () -> ()
      %mul3A_19 = arith.constant 64 : i32
      %mul3A_20 = arith.muli %add3A_13, %mul3A_19 : i32
      "tpu.region"() ({
        %run_scoped3A = tpu.sem_alloc : memref<!tpu.dma_semaphore, #tpu.memory_space<semaphore_mem>>
        %dma_start3A = tpu.memref_slice %arg7[%mul3A_20] : memref<128xi32, #tpu.memory_space<vmem>> -> memref<64xi32, #tpu.memory_space<vmem>>
        %dma_start3A_24 = arith.constant 0 : i32
        %dma_start3A_25 = arith.constant 0 : i32
        %dma_start3A_26 = tpu.memref_slice %arg2[%dma_start3A_24, %dma_start3A_25] : memref<10240x512xf32, #tpu.memory_space<hbm>> -> memref<10240x512xf32, #tpu.memory_space<hbm>>
        tpu.enqueue_indirect_dma source(%dma_start3A_26 : memref<10240x512xf32, #tpu.memory_space<hbm>>) target(%arg8 : memref<64x512xf32, #tpu.memory_space<vmem>>) offsets(%dma_start3A : memref<64xi32, #tpu.memory_space<vmem>>) semaphore(%run_scoped3A : memref<!tpu.dma_semaphore, #tpu.memory_space<semaphore_mem>>)
        %dma_wait3A = tpu.memref_slice %arg7[%mul3A_20] : memref<128xi32, #tpu.memory_space<vmem>> -> memref<64xi32, #tpu.memory_space<vmem>>
        %dma_wait3A_27 = arith.constant 0 : i32
        %dma_wait3A_28 = arith.constant 0 : i32
        %dma_wait3A_29 = tpu.memref_slice %arg2[%dma_wait3A_27, %dma_wait3A_28] : memref<10240x512xf32, #tpu.memory_space<hbm>> -> memref<10240x512xf32, #tpu.memory_space<hbm>>
        tpu.wait_indirect_dma semaphore(%run_scoped3A : memref<!tpu.dma_semaphore, #tpu.memory_space<semaphore_mem>>) src(%dma_wait3A_29 : memref<10240x512xf32, #tpu.memory_space<hbm>>) dst(%arg8 : memref<64x512xf32, #tpu.memory_space<vmem>>)
        tpu.yield
      }) : () -> ()
      %mul3A_21 = arith.constant 64 : i32
      %mul3A_22 = arith.muli %add3A_13, %mul3A_21 : i32
      %add3A_23 = arith.addi %mul3A_2, %mul3A_22 : i32
      "tpu.region"() ({
        %run_scoped3A = tpu.sem_alloc : memref<!tpu.dma_semaphore, #tpu.memory_space<semaphore_mem>>
        %dma_start3A = arith.constant 0 : i32
        %dma_start3A_24 = tpu.memref_slice %arg5[%add3A_23, %dma_start3A] : memref<4096x512xf32, #tpu.memory_space<hbm>> -> memref<64x512xf32, #tpu.memory_space<hbm>>
        %dma_start3A_25 = arith.constant 0 : i32
        %dma_start3A_26 = tpu.memref_slice %arg5[%add3A_23, %dma_start3A_25] : memref<4096x512xf32, #tpu.memory_space<hbm>> -> memref<64x512xf32, #tpu.memory_space<hbm>>
        tpu.enqueue_dma source(%arg8 : memref<64x512xf32, #tpu.memory_space<vmem>>) target(%dma_start3A_26 : memref<64x512xf32, #tpu.memory_space<hbm>>) target_semaphore(%run_scoped3A : memref<!tpu.dma_semaphore, #tpu.memory_space<semaphore_mem>>)
        %dma_wait3A = arith.constant 0 : i32
        %dma_wait3A_27 = tpu.memref_slice %arg5[%add3A_23, %dma_wait3A] : memref<4096x512xf32, #tpu.memory_space<hbm>> -> memref<64x512xf32, #tpu.memory_space<hbm>>
        %dma_wait3A_28 = arith.constant 0 : i32
        %dma_wait3A_29 = tpu.memref_slice %arg5[%add3A_23, %dma_wait3A_28] : memref<4096x512xf32, #tpu.memory_space<hbm>> -> memref<64x512xf32, #tpu.memory_space<hbm>>
        tpu.wait_dma2 semaphore(%run_scoped3A : memref<!tpu.dma_semaphore, #tpu.memory_space<semaphore_mem>>) src(%arg8 : memref<64x512xf32, #tpu.memory_space<vmem>>) dst(%dma_wait3A_29 : memref<64x512xf32, #tpu.memory_space<hbm>>)
        tpu.yield
      }) : () -> ()
    }
    %scan3A_8 = arith.constant 2 : i32
    return
  }
}

module attributes {stable_mosaic.version = 14 : i64} {
  func.func @_gate_body(%arg0: i32, %arg1: memref<512x1024xf32, #tpu.memory_space<vmem>>, %arg2: memref<1024x8xf32, #tpu.memory_space<vmem>>, %arg3: memref<512x2xi32, #tpu.memory_space<vmem>>, %arg4: memref<512x2xi32, #tpu.memory_space<vmem>>, %arg5: memref<512x2xf32, #tpu.memory_space<vmem>>, %arg6: memref<1x16xi32, #tpu.memory_space<vmem>>, %arg7: memref<1x128xi32, #tpu.memory_space<vmem>>, %arg8: memref<1x16xf32, #tpu.memory_space<vmem>>, %arg9: memref<16x1xf32, #tpu.memory_space<vmem>>) attributes {dimension_semantics = [#tpu.dimension_semantics<arbitrary>], iteration_bounds = array<i64: 8>, scalar_prefetch = 0 : i64, scratch_operands = 2 : i64, tpu.core_type = #tpu.core_type<tc>, window_params = [{transform_indices = @transform_0, window_bounds = array<i64: 512, 1024>}, {pipeline_mode = #tpu.pipeline_mode<synchronous>, transform_indices = @transform_1, window_bounds = array<i64: 1024, 8>}, {transform_indices = @transform_2, window_bounds = array<i64: 512, 2>}, {transform_indices = @transform_3, window_bounds = array<i64: 512, 2>}, {transform_indices = @transform_4, window_bounds = array<i64: 512, 2>}, {pipeline_mode = #tpu.pipeline_mode<synchronous>, transform_indices = @transform_5, window_bounds = array<i64: 1, 16>}, {pipeline_mode = #tpu.pipeline_mode<synchronous>, transform_indices = @transform_6, window_bounds = array<i64: 1, 128>}]} {
    %eq3A = arith.constant 0 : i32
    %eq3A_0 = arith.cmpi eq, %arg0, %eq3A : i32
    %convert_element_type3A = arith.extui %eq3A_0 : i1 to i32
    %cond3A = arith.constant 0 : i32
    %cond3A_1 = arith.cmpi ne, %convert_element_type3A, %cond3A : i32
    scf.if %cond3A_1 {
      %broadcast_in_dim3A_112 = arith.constant 0.000000e+00 : f32
      %broadcast_in_dim3A_113 = vector.broadcast %broadcast_in_dim3A_112 : f32 to vector<1x16xf32>
      %swap3A_114 = arith.constant 0 : index
      %swap3A_115 = arith.constant 0 : index
      %swap3A_116 = vector.load %arg8[%swap3A_114, %swap3A_115] : memref<1x16xf32, #tpu.memory_space<vmem>>, vector<1x16xf32>
      tpu.vector_store %arg8[%swap3A_114, %swap3A_115], %broadcast_in_dim3A_113 {strides = array<i32>} : memref<1x16xf32, #tpu.memory_space<vmem>>, vector<1x16xf32>,
      %broadcast_in_dim3A_117 = arith.constant 0.000000e+00 : f32
      %broadcast_in_dim3A_118 = vector.broadcast %broadcast_in_dim3A_117 : f32 to vector<16x1xf32>
      %swap3A_119 = arith.constant 0 : index
      %swap3A_120 = arith.constant 0 : index
      %swap3A_121 = vector.load %arg9[%swap3A_119, %swap3A_120] : memref<16x1xf32, #tpu.memory_space<vmem>>, vector<16x1xf32>
      tpu.vector_store %arg9[%swap3A_119, %swap3A_120], %broadcast_in_dim3A_118 {strides = array<i32>} : memref<16x1xf32, #tpu.memory_space<vmem>>, vector<16x1xf32>,
    } else {
    }
    %get3A = arith.constant 0 : index
    %get3A_2 = arith.constant 0 : index
    %get3A_3 = vector.load %arg1[%get3A, %get3A_2] : memref<512x1024xf32, #tpu.memory_space<vmem>>, vector<512x1024xf32>
    %get3A_4 = arith.constant 0 : index
    %get3A_5 = arith.constant 0 : index
    %get3A_6 = vector.load %arg2[%get3A_4, %get3A_5] : memref<1024x8xf32, #tpu.memory_space<vmem>>, vector<1024x8xf32>
    %dot_general3A = arith.constant dense<0.000000e+00> : vector<512x8xf32>
    %dot_general3A_7 = tpu.matmul %get3A_3, %get3A_6, %dot_general3A {dimension_numbers = #tpu.dot_dimension_numbers<[1], [0], [0], [1], [0, 0, 1, 1], [], []>, transpose_lhs_hint = false} : vector<512x1024xf32>, vector<1024x8xf32>, vector<512x8xf32> -> vector<512x8xf32>
    %reduce_max3A = arith.constant dense<0xFF800000> : vector<512xf32>
    %reduce_max3A_8 = vector.multi_reduction <maximumf>, %dot_general3A_7, %reduce_max3A [1] : vector<512x8xf32> to vector<512xf32>
    %max3A = arith.constant 0xFF800000 : f32
    %max3A_9 = vector.broadcast %max3A : f32 to vector<512xf32>
    %max3A_10 = arith.maximumf %max3A_9, %reduce_max3A_8 : vector<512xf32>
    %broadcast_in_dim3A = vector.shape_cast %max3A_10 : vector<512xf32> to vector<512x1xf32>
    %sub3A = vector.broadcast %broadcast_in_dim3A : vector<512x1xf32> to vector<512x8xf32>
    %sub3A_11 = arith.subf %dot_general3A_7, %sub3A : vector<512x8xf32>
    %exp3A = math.exp %sub3A_11 : vector<512x8xf32>
    %reduce_sum3A = arith.constant dense<0.000000e+00> : vector<512xf32>
    %reduce_sum3A_12 = vector.multi_reduction <add>, %exp3A, %reduce_sum3A [1] : vector<512x8xf32> to vector<512xf32>
    %broadcast_in_dim3A_13 = vector.shape_cast %reduce_sum3A_12 : vector<512xf32> to vector<512x1xf32>
    %div3A = vector.broadcast %broadcast_in_dim3A_13 : vector<512x1xf32> to vector<512x8xf32>
    %div3A_14 = arith.divf %exp3A, %div3A : vector<512x8xf32>
    %reduce_max3A_15 = arith.constant dense<0xFF800000> : vector<512xf32>
    %reduce_max3A_16 = vector.multi_reduction <maximumf>, %div3A_14, %reduce_max3A_15 [1] : vector<512x8xf32> to vector<512xf32>
    %argmax3A = tpu.reduce_index %div3A_14 {axis = 1 : i32, kind = #tpu.reduction_kind<arg_max>} : vector<512x8xf32> -> vector<512xi32>
    %iota3A = tpu.iota {dimensions = array<i32: 1>} : vector<512x8xi32>
    %broadcast_in_dim3A_17 = vector.shape_cast %argmax3A : vector<512xi32> to vector<512x1xi32>
    %eq3A_18 = vector.broadcast %broadcast_in_dim3A_17 : vector<512x1xi32> to vector<512x8xi32>
    %eq3A_19 = arith.cmpi eq, %iota3A, %eq3A_18 : vector<512x8xi32>
    %jit3A = arith.constant 0xFF800000 : f32
    %broadcast_in_dim3A_20 = vector.broadcast %jit3A : f32 to vector<512x8xf32>
    %select_n3A = arith.select %eq3A_19, %broadcast_in_dim3A_20, %div3A_14 : vector<512x8xi1>, vector<512x8xf32>
    %reduce_max3A_21 = arith.constant dense<0xFF800000> : vector<512xf32>
    %reduce_max3A_22 = vector.multi_reduction <maximumf>, %select_n3A, %reduce_max3A_21 [1] : vector<512x8xf32> to vector<512xf32>
    %argmax3A_23 = tpu.reduce_index %select_n3A {axis = 1 : i32, kind = #tpu.reduction_kind<arg_max>} : vector<512x8xf32> -> vector<512xi32>
    %add3A = arith.addf %reduce_max3A_16, %reduce_max3A_22 : vector<512xf32>
    %iota3A_24 = tpu.iota {dimensions = array<i32: 1>} : vector<512x16xi32>
    %broadcast_in_dim3A_25 = vector.shape_cast %argmax3A : vector<512xi32> to vector<512x1xi32>
    %eq3A_26 = vector.broadcast %broadcast_in_dim3A_25 : vector<512x1xi32> to vector<512x16xi32>
    %eq3A_27 = arith.cmpi eq, %iota3A_24, %eq3A_26 : vector<512x16xi32>
    %convert_element_type3A_28 = arith.extui %eq3A_27 : vector<512x16xi1> to vector<512x16xi32>
    %convert_element_type3A_29 = arith.sitofp %convert_element_type3A_28 : vector<512x16xi32> to vector<512x16xf32>
    %broadcast_in_dim3A_30 = vector.shape_cast %argmax3A_23 : vector<512xi32> to vector<512x1xi32>
    %eq3A_31 = vector.broadcast %broadcast_in_dim3A_30 : vector<512x1xi32> to vector<512x16xi32>
    %eq3A_32 = arith.cmpi eq, %iota3A_24, %eq3A_31 : vector<512x16xi32>
    %convert_element_type3A_33 = arith.extui %eq3A_32 : vector<512x16xi1> to vector<512x16xi32>
    %convert_element_type3A_34 = arith.sitofp %convert_element_type3A_33 : vector<512x16xi32> to vector<512x16xf32>
    %add3A_35 = arith.addf %convert_element_type3A_29, %convert_element_type3A_34 : vector<512x16xf32>
    %iota3A_36 = tpu.iota {dimensions = array<i32: 0>} : vector<512x512xi32>
    %iota3A_37 = tpu.iota {dimensions = array<i32: 1>} : vector<512x512xi32>
    %lt3A = arith.cmpi slt, %iota3A_37, %iota3A_36 : vector<512x512xi32>
    %convert_element_type3A_38 = arith.extui %lt3A : vector<512x512xi1> to vector<512x512xi32>
    %convert_element_type3A_39 = arith.sitofp %convert_element_type3A_38 : vector<512x512xi32> to vector<512x512xf32>
    %dot_general3A_40 = arith.constant dense<0.000000e+00> : vector<512x16xf32>
    %dot_general3A_41 = tpu.matmul %convert_element_type3A_39, %add3A_35, %dot_general3A_40 {dimension_numbers = #tpu.dot_dimension_numbers<[1], [0], [0], [1], [0, 0, 1, 1], [], []>, transpose_lhs_hint = false} : vector<512x512xf32>, vector<512x16xf32>, vector<512x16xf32> -> vector<512x16xf32>
    %get3A_42 = arith.constant 0 : index
    %get3A_43 = arith.constant 0 : index
    %get3A_44 = vector.load %arg8[%get3A_42, %get3A_43] : memref<1x16xf32, #tpu.memory_space<vmem>>, vector<1x16xf32>
    %add3A_45 = vector.broadcast %get3A_44 : vector<1x16xf32> to vector<512x16xf32>
    %add3A_46 = arith.addf %dot_general3A_41, %add3A_45 : vector<512x16xf32>
    %broadcast_in_dim3A_47 = vector.shape_cast %argmax3A : vector<512xi32> to vector<512x1xi32>
    %eq3A_48 = vector.broadcast %broadcast_in_dim3A_47 : vector<512x1xi32> to vector<512x16xi32>
    %eq3A_49 = arith.cmpi eq, %iota3A_24, %eq3A_48 : vector<512x16xi32>
    %jit3A_50 = arith.constant 0.000000e+00 : f32
    %broadcast_in_dim3A_51 = vector.broadcast %jit3A_50 : f32 to vector<512x16xf32>
    %select_n3A_52 = arith.select %eq3A_49, %add3A_46, %broadcast_in_dim3A_51 : vector<512x16xi1>, vector<512x16xf32>
    %reduce_sum3A_53 = arith.constant dense<0.000000e+00> : vector<512xf32>
    %reduce_sum3A_54 = vector.multi_reduction <add>, %select_n3A_52, %reduce_sum3A_53 [1] : vector<512x16xf32> to vector<512xf32>
    %broadcast_in_dim3A_55 = vector.shape_cast %argmax3A_23 : vector<512xi32> to vector<512x1xi32>
    %eq3A_56 = vector.broadcast %broadcast_in_dim3A_55 : vector<512x1xi32> to vector<512x16xi32>
    %eq3A_57 = arith.cmpi eq, %iota3A_24, %eq3A_56 : vector<512x16xi32>
    %jit3A_58 = arith.constant 0.000000e+00 : f32
    %broadcast_in_dim3A_59 = vector.broadcast %jit3A_58 : f32 to vector<512x16xf32>
    %select_n3A_60 = arith.select %eq3A_57, %add3A_46, %broadcast_in_dim3A_59 : vector<512x16xi1>, vector<512x16xf32>
    %reduce_sum3A_61 = arith.constant dense<0.000000e+00> : vector<512xf32>
    %reduce_sum3A_62 = vector.multi_reduction <add>, %select_n3A_60, %reduce_sum3A_61 [1] : vector<512x16xf32> to vector<512xf32>
    %broadcast_in_dim3A_63 = vector.shape_cast %argmax3A : vector<512xi32> to vector<512x1xi32>
    %broadcast_in_dim3A_64 = vector.shape_cast %argmax3A_23 : vector<512xi32> to vector<512x1xi32>
    %concatenate3A = tpu.concatenate %broadcast_in_dim3A_63, %broadcast_in_dim3A_64 in 1 : vector<512x1xi32>, vector<512x1xi32> -> vector<512x2xi32>
    %swap3A = arith.constant 0 : index
    %swap3A_65 = arith.constant 0 : index
    %swap3A_66 = vector.load %arg3[%swap3A, %swap3A_65] : memref<512x2xi32, #tpu.memory_space<vmem>>, vector<512x2xi32>
    tpu.vector_store %arg3[%swap3A, %swap3A_65], %concatenate3A {strides = array<i32>} : memref<512x2xi32, #tpu.memory_space<vmem>>, vector<512x2xi32>,
    %broadcast_in_dim3A_67 = vector.shape_cast %reduce_sum3A_54 : vector<512xf32> to vector<512x1xf32>
    %broadcast_in_dim3A_68 = vector.shape_cast %reduce_sum3A_62 : vector<512xf32> to vector<512x1xf32>
    %concatenate3A_69 = tpu.concatenate %broadcast_in_dim3A_67, %broadcast_in_dim3A_68 in 1 : vector<512x1xf32>, vector<512x1xf32> -> vector<512x2xf32>
    %convert_element_type3A_70 = arith.fptosi %concatenate3A_69 : vector<512x2xf32> to vector<512x2xi32>
    %swap3A_71 = arith.constant 0 : index
    %swap3A_72 = arith.constant 0 : index
    %swap3A_73 = vector.load %arg4[%swap3A_71, %swap3A_72] : memref<512x2xi32, #tpu.memory_space<vmem>>, vector<512x2xi32>
    tpu.vector_store %arg4[%swap3A_71, %swap3A_72], %convert_element_type3A_70 {strides = array<i32>} : memref<512x2xi32, #tpu.memory_space<vmem>>, vector<512x2xi32>,
    %div3A_74 = arith.divf %reduce_max3A_16, %add3A : vector<512xf32>
    %broadcast_in_dim3A_75 = vector.shape_cast %div3A_74 : vector<512xf32> to vector<512x1xf32>
    %div3A_76 = arith.divf %reduce_max3A_22, %add3A : vector<512xf32>
    %broadcast_in_dim3A_77 = vector.shape_cast %div3A_76 : vector<512xf32> to vector<512x1xf32>
    %concatenate3A_78 = tpu.concatenate %broadcast_in_dim3A_75, %broadcast_in_dim3A_77 in 1 : vector<512x1xf32>, vector<512x1xf32> -> vector<512x2xf32>
    %swap3A_79 = arith.constant 0 : index
    %swap3A_80 = arith.constant 0 : index
    %swap3A_81 = vector.load %arg5[%swap3A_79, %swap3A_80] : memref<512x2xf32, #tpu.memory_space<vmem>>, vector<512x2xf32>
    tpu.vector_store %arg5[%swap3A_79, %swap3A_80], %concatenate3A_78 {strides = array<i32>} : memref<512x2xf32, #tpu.memory_space<vmem>>, vector<512x2xf32>,
    %get3A_82 = arith.constant 0 : index
    %get3A_83 = arith.constant 0 : index
    %get3A_84 = vector.load %arg8[%get3A_82, %get3A_83] : memref<1x16xf32, #tpu.memory_space<vmem>>, vector<1x16xf32>
    %reduce_sum3A_85 = arith.constant dense<0.000000e+00> : vector<16xf32>
    %reduce_sum3A_86 = vector.multi_reduction <add>, %add3A_35, %reduce_sum3A_85 [0] : vector<512x16xf32> to vector<16xf32>
    %broadcast_in_dim3A_87 = vector.shape_cast %reduce_sum3A_86 : vector<16xf32> to vector<1x16xf32>
    %add3A_88 = arith.addf %get3A_84, %broadcast_in_dim3A_87 : vector<1x16xf32>
    %swap3A_89 = arith.constant 0 : index
    %swap3A_90 = arith.constant 0 : index
    %swap3A_91 = vector.load %arg8[%swap3A_89, %swap3A_90] : memref<1x16xf32, #tpu.memory_space<vmem>>, vector<1x16xf32>
    tpu.vector_store %arg8[%swap3A_89, %swap3A_90], %add3A_88 {strides = array<i32>} : memref<1x16xf32, #tpu.memory_space<vmem>>, vector<1x16xf32>,
    %convert_element_type3A_92 = arith.fptosi %add3A_88 : vector<1x16xf32> to vector<1x16xi32>
    %swap3A_93 = arith.constant 0 : index
    %swap3A_94 = arith.constant 0 : index
    %swap3A_95 = vector.load %arg6[%swap3A_93, %swap3A_94] : memref<1x16xi32, #tpu.memory_space<vmem>>, vector<1x16xi32>
    tpu.vector_store %arg6[%swap3A_93, %swap3A_94], %convert_element_type3A_92 {strides = array<i32>} : memref<1x16xi32, #tpu.memory_space<vmem>>, vector<1x16xi32>,
    %broadcast_in_dim3A_96 = arith.constant 1.000000e+00 : f32
    %broadcast_in_dim3A_97 = vector.broadcast %broadcast_in_dim3A_96 : f32 to vector<512x1xf32>
    %dot_general3A_98 = arith.constant dense<0.000000e+00> : vector<16x1xf32>
    %dot_general3A_99 = tpu.matmul %add3A_35, %broadcast_in_dim3A_97, %dot_general3A_98 {dimension_numbers = #tpu.dot_dimension_numbers<[0], [0], [1], [1], [0, 1, 1, 1], [], []>, transpose_lhs_hint = false} : vector<512x16xf32>, vector<512x1xf32>, vector<16x1xf32> -> vector<16x1xf32>
    %get3A_100 = arith.constant 0 : index
    %get3A_101 = arith.constant 0 : index
    %get3A_102 = vector.load %arg9[%get3A_100, %get3A_101] : memref<16x1xf32, #tpu.memory_space<vmem>>, vector<16x1xf32>
    %add3A_103 = arith.addf %get3A_102, %dot_general3A_99 : vector<16x1xf32>
    %swap3A_104 = arith.constant 0 : index
    %swap3A_105 = arith.constant 0 : index
    %swap3A_106 = vector.load %arg9[%swap3A_104, %swap3A_105] : memref<16x1xf32, #tpu.memory_space<vmem>>, vector<16x1xf32>
    tpu.vector_store %arg9[%swap3A_104, %swap3A_105], %add3A_103 {strides = array<i32>} : memref<16x1xf32, #tpu.memory_space<vmem>>, vector<16x1xf32>,
    %eq3A_107 = arith.constant 7 : i32
    %eq3A_108 = arith.cmpi eq, %arg0, %eq3A_107 : i32
    %convert_element_type3A_109 = arith.extui %eq3A_108 : i1 to i32
    %cond3A_110 = arith.constant 0 : i32
    %cond3A_111 = arith.cmpi ne, %convert_element_type3A_109, %cond3A_110 : i32
    scf.if %cond3A_111 {
      %div3A_112 = arith.constant 2.560000e+02 : f32
      %div3A_113 = vector.broadcast %div3A_112 : f32 to vector<16x1xf32>
      %div3A_114 = arith.divf %add3A_103, %div3A_113 : vector<16x1xf32>
      %ceil3A = math.ceil %div3A_114 : vector<16x1xf32>
      %mul3A = arith.constant 2.560000e+02 : f32
      %mul3A_115 = vector.broadcast %mul3A : f32 to vector<16x1xf32>
      %mul3A_116 = arith.mulf %ceil3A, %mul3A_115 : vector<16x1xf32>
      %iota3A_117 = tpu.iota {dimensions = array<i32: 0>} : vector<16x16xi32>
      %iota3A_118 = tpu.iota {dimensions = array<i32: 1>} : vector<16x16xi32>
      %le3A = arith.cmpi sle, %iota3A_118, %iota3A_117 : vector<16x16xi32>
      %convert_element_type3A_119 = arith.extui %le3A : vector<16x16xi1> to vector<16x16xi32>
      %convert_element_type3A_120 = arith.sitofp %convert_element_type3A_119 : vector<16x16xi32> to vector<16x16xf32>
      %dot_general3A_121 = arith.constant dense<0.000000e+00> : vector<16x1xf32>
      %dot_general3A_122 = tpu.matmul %convert_element_type3A_120, %mul3A_116, %dot_general3A_121 {dimension_numbers = #tpu.dot_dimension_numbers<[1], [0], [0], [1], [0, 0, 1, 1], [], []>, transpose_lhs_hint = false} : vector<16x16xf32>, vector<16x1xf32>, vector<16x1xf32> -> vector<16x1xf32>
      %iota3A_123 = tpu.iota {dimensions = array<i32: 1>} : vector<1x128xi32>
      %convert_element_type3A_124 = arith.sitofp %iota3A_123 : vector<1x128xi32> to vector<1x128xf32>
      %mul3A_125 = arith.constant 2.560000e+02 : f32
      %mul3A_126 = vector.broadcast %mul3A_125 : f32 to vector<1x128xf32>
      %mul3A_127 = arith.mulf %convert_element_type3A_124, %mul3A_126 : vector<1x128xf32>
      %le3A_128 = vector.broadcast %dot_general3A_122 : vector<16x1xf32> to vector<16x128xf32>
      %le3A_129 = vector.broadcast %mul3A_127 : vector<1x128xf32> to vector<16x128xf32>
      %le3A_130 = arith.cmpf ole, %le3A_128, %le3A_129 : vector<16x128xf32>
      %convert_element_type3A_131 = arith.extui %le3A_130 : vector<16x128xi1> to vector<16x128xi32>
      %convert_element_type3A_132 = arith.sitofp %convert_element_type3A_131 : vector<16x128xi32> to vector<16x128xf32>
      %broadcast_in_dim3A_133 = arith.constant 1.000000e+00 : f32
      %broadcast_in_dim3A_134 = vector.broadcast %broadcast_in_dim3A_133 : f32 to vector<1x16xf32>
      %dot_general3A_135 = arith.constant dense<0.000000e+00> : vector<1x128xf32>
      %dot_general3A_136 = tpu.matmul %broadcast_in_dim3A_134, %convert_element_type3A_132, %dot_general3A_135 {dimension_numbers = #tpu.dot_dimension_numbers<[1], [0], [0], [1], [0, 0, 1, 1], [], []>, transpose_lhs_hint = false} : vector<1x16xf32>, vector<16x128xf32>, vector<1x128xf32> -> vector<1x128xf32>
      %convert_element_type3A_137 = arith.fptosi %dot_general3A_136 : vector<1x128xf32> to vector<1x128xi32>
      %swap3A_138 = arith.constant 0 : index
      %swap3A_139 = arith.constant 0 : index
      %swap3A_140 = vector.load %arg7[%swap3A_138, %swap3A_139] : memref<1x128xi32, #tpu.memory_space<vmem>>, vector<1x128xi32>
      tpu.vector_store %arg7[%swap3A_138, %swap3A_139], %convert_element_type3A_137 {strides = array<i32>} : memref<1x128xi32, #tpu.memory_space<vmem>>, vector<1x128xi32>,
    } else {
    }
    return
  }
  func.func @transform_0(%arg0: i32) -> (i32, i32) {
    %c0_i32 = arith.constant 0 : i32
    %c0_i32_0 = arith.constant 0 : i32
    return %arg0, %c0_i32 : i32, i32
  }
  func.func @transform_1(%arg0: i32) -> (i32, i32) {
    %c0_i32 = arith.constant 0 : i32
    %c0_i32_0 = arith.constant 0 : i32
    %c0_i32_1 = arith.constant 0 : i32
    return %c0_i32, %c0_i32_0 : i32, i32
  }
  func.func @transform_2(%arg0: i32) -> (i32, i32) {
    %c0_i32 = arith.constant 0 : i32
    %c0_i32_0 = arith.constant 0 : i32
    return %arg0, %c0_i32 : i32, i32
  }
  func.func @transform_3(%arg0: i32) -> (i32, i32) {
    %c0_i32 = arith.constant 0 : i32
    %c0_i32_0 = arith.constant 0 : i32
    return %arg0, %c0_i32 : i32, i32
  }
  func.func @transform_4(%arg0: i32) -> (i32, i32) {
    %c0_i32 = arith.constant 0 : i32
    %c0_i32_0 = arith.constant 0 : i32
    return %arg0, %c0_i32 : i32, i32
  }
  func.func @transform_5(%arg0: i32) -> (i32, i32) {
    %c0_i32 = arith.constant 0 : i32
    %c0_i32_0 = arith.constant 0 : i32
    %c0_i32_1 = arith.constant 0 : i32
    return %c0_i32, %c0_i32_0 : i32, i32
  }
  func.func @transform_6(%arg0: i32) -> (i32, i32) {
    %c0_i32 = arith.constant 0 : i32
    %c0_i32_0 = arith.constant 0 : i32
    %c0_i32_1 = arith.constant 0 : i32
    return %c0_i32, %c0_i32_0 : i32, i32
  }
}

module attributes {stable_mosaic.version = 14 : i64} {
  func.func @_gmm_body(%arg0: i32, %arg1: memref<40xi32, #tpu.memory_space<smem>>, %arg2: memref<256x512xf32, #tpu.memory_space<vmem>>, %arg3: memref<1x512x512xf32, #tpu.memory_space<vmem>>, %arg4: memref<1x512x512xf32, #tpu.memory_space<vmem>>, %arg5: memref<1x512x512xf32, #tpu.memory_space<vmem>>, %arg6: memref<1x512x512xf32, #tpu.memory_space<vmem>>, %arg7: memref<1x512x1024xf32, #tpu.memory_space<vmem>>, %arg8: memref<256x512xf32, #tpu.memory_space<vmem>>, %arg9: memref<512x512xbf16, #tpu.memory_space<vmem>>, %arg10: memref<512x512xbf16, #tpu.memory_space<vmem>>, %arg11: memref<512x512xbf16, #tpu.memory_space<vmem>>, %arg12: memref<512x512xbf16, #tpu.memory_space<vmem>>, %arg13: memref<512x1024xbf16, #tpu.memory_space<vmem>>) attributes {dimension_semantics = [#tpu.dimension_semantics<arbitrary>], iteration_bounds = array<i64: 40>, scalar_prefetch = 1 : i64, scratch_operands = 5 : i64, tpu.core_type = #tpu.core_type<tc>, window_params = [{transform_indices = @transform_0, window_bounds = array<i64: 256, 512>}, {transform_indices = @transform_1, window_bounds = array<i64: 1, 512, 512>}, {transform_indices = @transform_2, window_bounds = array<i64: 1, 512, 512>}, {transform_indices = @transform_3, window_bounds = array<i64: 1, 512, 512>}, {transform_indices = @transform_4, window_bounds = array<i64: 1, 512, 512>}, {transform_indices = @transform_5, window_bounds = array<i64: 1, 512, 1024>}, {transform_indices = @transform_6, window_bounds = array<i64: 256, 512>}]} {
    %get3A = arith.index_cast %arg0 : i32 to index
    %get3A_0 = memref.load %arg1[%get3A] : memref<40xi32, #tpu.memory_space<smem>>
    %min3A = arith.constant 7 : i32
    %min3A_1 = arith.minsi %get3A_0, %min3A : i32
    %sub3A = arith.constant 1 : i32
    %sub3A_2 = arith.subi %arg0, %sub3A : i32
    %max3A = arith.constant 0 : i32
    %max3A_3 = arith.maxsi %sub3A_2, %max3A : i32
    %get3A_4 = arith.index_cast %max3A_3 : i32 to index
    %get3A_5 = memref.load %arg1[%get3A_4] : memref<40xi32, #tpu.memory_space<smem>>
    %min3A_6 = arith.constant 7 : i32
    %min3A_7 = arith.minsi %get3A_5, %min3A_6 : i32
    %eq3A = arith.constant 0 : i32
    %eq3A_8 = arith.cmpi eq, %arg0, %eq3A : i32
    %ne3A = arith.cmpi ne, %min3A_1, %min3A_7 : i32
    %or3A = arith.ori %eq3A_8, %ne3A : i1
    %convert_element_type3A = arith.extui %or3A : i1 to i32
    %cond3A = arith.constant 0 : i32
    %cond3A_9 = arith.cmpi ne, %convert_element_type3A, %cond3A : i32
    scf.if %cond3A_9 {
      %get3A_16 = arith.constant 0 : index
      %get3A_17 = arith.constant 0 : index
      %get3A_18 = arith.constant 0 : index
      %get3A_19 = vector.load %arg3[%get3A_16, %get3A_17, %get3A_18] : memref<1x512x512xf32, #tpu.memory_space<vmem>>, vector<1x512x512xf32>
      %get3A_20 = vector.shape_cast %get3A_19 : vector<1x512x512xf32> to vector<512x512xf32>
      %convert_element_type3A_21 = arith.truncf %get3A_20 : vector<512x512xf32> to vector<512x512xbf16>
      %swap3A = arith.constant 0 : index
      %swap3A_22 = arith.constant 0 : index
      %swap3A_23 = vector.load %arg9[%swap3A, %swap3A_22] : memref<512x512xbf16, #tpu.memory_space<vmem>>, vector<512x512xbf16>
      tpu.vector_store %arg9[%swap3A, %swap3A_22], %convert_element_type3A_21 {strides = array<i32>} : memref<512x512xbf16, #tpu.memory_space<vmem>>, vector<512x512xbf16>,
      %get3A_24 = arith.constant 0 : index
      %get3A_25 = arith.constant 0 : index
      %get3A_26 = arith.constant 0 : index
      %get3A_27 = vector.load %arg4[%get3A_24, %get3A_25, %get3A_26] : memref<1x512x512xf32, #tpu.memory_space<vmem>>, vector<1x512x512xf32>
      %get3A_28 = vector.shape_cast %get3A_27 : vector<1x512x512xf32> to vector<512x512xf32>
      %convert_element_type3A_29 = arith.truncf %get3A_28 : vector<512x512xf32> to vector<512x512xbf16>
      %swap3A_30 = arith.constant 0 : index
      %swap3A_31 = arith.constant 0 : index
      %swap3A_32 = vector.load %arg10[%swap3A_30, %swap3A_31] : memref<512x512xbf16, #tpu.memory_space<vmem>>, vector<512x512xbf16>
      tpu.vector_store %arg10[%swap3A_30, %swap3A_31], %convert_element_type3A_29 {strides = array<i32>} : memref<512x512xbf16, #tpu.memory_space<vmem>>, vector<512x512xbf16>,
      %get3A_33 = arith.constant 0 : index
      %get3A_34 = arith.constant 0 : index
      %get3A_35 = arith.constant 0 : index
      %get3A_36 = vector.load %arg5[%get3A_33, %get3A_34, %get3A_35] : memref<1x512x512xf32, #tpu.memory_space<vmem>>, vector<1x512x512xf32>
      %get3A_37 = vector.shape_cast %get3A_36 : vector<1x512x512xf32> to vector<512x512xf32>
      %convert_element_type3A_38 = arith.truncf %get3A_37 : vector<512x512xf32> to vector<512x512xbf16>
      %swap3A_39 = arith.constant 0 : index
      %swap3A_40 = arith.constant 0 : index
      %swap3A_41 = vector.load %arg11[%swap3A_39, %swap3A_40] : memref<512x512xbf16, #tpu.memory_space<vmem>>, vector<512x512xbf16>
      tpu.vector_store %arg11[%swap3A_39, %swap3A_40], %convert_element_type3A_38 {strides = array<i32>} : memref<512x512xbf16, #tpu.memory_space<vmem>>, vector<512x512xbf16>,
      %get3A_42 = arith.constant 0 : index
      %get3A_43 = arith.constant 0 : index
      %get3A_44 = arith.constant 0 : index
      %get3A_45 = vector.load %arg6[%get3A_42, %get3A_43, %get3A_44] : memref<1x512x512xf32, #tpu.memory_space<vmem>>, vector<1x512x512xf32>
      %get3A_46 = vector.shape_cast %get3A_45 : vector<1x512x512xf32> to vector<512x512xf32>
      %convert_element_type3A_47 = arith.truncf %get3A_46 : vector<512x512xf32> to vector<512x512xbf16>
      %swap3A_48 = arith.constant 0 : index
      %swap3A_49 = arith.constant 0 : index
      %swap3A_50 = vector.load %arg12[%swap3A_48, %swap3A_49] : memref<512x512xbf16, #tpu.memory_space<vmem>>, vector<512x512xbf16>
      tpu.vector_store %arg12[%swap3A_48, %swap3A_49], %convert_element_type3A_47 {strides = array<i32>} : memref<512x512xbf16, #tpu.memory_space<vmem>>, vector<512x512xbf16>,
      %get3A_51 = arith.constant 0 : index
      %get3A_52 = arith.constant 0 : index
      %get3A_53 = arith.constant 0 : index
      %get3A_54 = vector.load %arg7[%get3A_51, %get3A_52, %get3A_53] : memref<1x512x1024xf32, #tpu.memory_space<vmem>>, vector<1x512x1024xf32>
      %get3A_55 = vector.shape_cast %get3A_54 : vector<1x512x1024xf32> to vector<512x1024xf32>
      %convert_element_type3A_56 = arith.truncf %get3A_55 : vector<512x1024xf32> to vector<512x1024xbf16>
      %swap3A_57 = arith.constant 0 : index
      %swap3A_58 = arith.constant 0 : index
      %swap3A_59 = vector.load %arg13[%swap3A_57, %swap3A_58] : memref<512x1024xbf16, #tpu.memory_space<vmem>>, vector<512x1024xbf16>
      tpu.vector_store %arg13[%swap3A_57, %swap3A_58], %convert_element_type3A_56 {strides = array<i32>} : memref<512x1024xbf16, #tpu.memory_space<vmem>>, vector<512x1024xbf16>,
    } else {
    }
    %get3A_10 = arith.index_cast %arg0 : i32 to index
    %get3A_11 = memref.load %arg1[%get3A_10] : memref<40xi32, #tpu.memory_space<smem>>
    %lt3A = arith.constant 8 : i32
    %lt3A_12 = arith.cmpi slt, %get3A_11, %lt3A : i32
    %convert_element_type3A_13 = arith.extui %lt3A_12 : i1 to i32
    %cond3A_14 = arith.constant 0 : i32
    %cond3A_15 = arith.cmpi ne, %convert_element_type3A_13, %cond3A_14 : i32
    scf.if %cond3A_15 {
      %get3A_16 = arith.constant 0 : index
      %get3A_17 = arith.constant 0 : index
      %get3A_18 = vector.load %arg2[%get3A_16, %get3A_17] : memref<256x512xf32, #tpu.memory_space<vmem>>, vector<256x512xf32>
      %bitcast_convert_type3A = tpu.bitcast %get3A_18 : vector<256x512xf32> -> vector<256x512xi32>
      %shift_left3A = arith.constant 16 : i32
      %shift_left3A_19 = vector.broadcast %shift_left3A : i32 to vector<256x512xi32>
      %shift_left3A_20 = arith.shli %bitcast_convert_type3A, %shift_left3A_19 : vector<256x512xi32>
      %bitcast_convert_type3A_21 = tpu.bitcast %shift_left3A_20 : vector<256x512xi32> -> vector<256x512xf32>
      %and3A = arith.constant -65536 : i32
      %and3A_22 = vector.broadcast %and3A : i32 to vector<256x512xi32>
      %and3A_23 = arith.andi %bitcast_convert_type3A, %and3A_22 : vector<256x512xi32>
      %bitcast_convert_type3A_24 = tpu.bitcast %and3A_23 : vector<256x512xi32> -> vector<256x512xf32>
      %convert_element_type3A_25 = arith.truncf %bitcast_convert_type3A_21 : vector<256x512xf32> to vector<256x512xbf16>
      %convert_element_type3A_26 = arith.truncf %bitcast_convert_type3A_24 : vector<256x512xf32> to vector<256x512xbf16>
      %get3A_27 = arith.constant 0 : index
      %get3A_28 = arith.constant 0 : index
      %get3A_29 = vector.load %arg9[%get3A_27, %get3A_28] : memref<512x512xbf16, #tpu.memory_space<vmem>>, vector<512x512xbf16>
      %dot_general3A = arith.constant dense<0.000000e+00> : vector<256x512xf32>
      %dot_general3A_30 = tpu.matmul %convert_element_type3A_25, %get3A_29, %dot_general3A {dimension_numbers = #tpu.dot_dimension_numbers<[1], [0], [0], [1], [0, 0, 1, 1], [], []>, transpose_lhs_hint = false} : vector<256x512xbf16>, vector<512x512xbf16>, vector<256x512xf32> -> vector<256x512xf32>
      %get3A_31 = arith.constant 0 : index
      %get3A_32 = arith.constant 0 : index
      %get3A_33 = vector.load %arg10[%get3A_31, %get3A_32] : memref<512x512xbf16, #tpu.memory_space<vmem>>, vector<512x512xbf16>
      %dot_general3A_34 = arith.constant dense<0.000000e+00> : vector<256x512xf32>
      %dot_general3A_35 = tpu.matmul %convert_element_type3A_26, %get3A_33, %dot_general3A_34 {dimension_numbers = #tpu.dot_dimension_numbers<[1], [0], [0], [1], [0, 0, 1, 1], [], []>, transpose_lhs_hint = false} : vector<256x512xbf16>, vector<512x512xbf16>, vector<256x512xf32> -> vector<256x512xf32>
      %add3A = arith.addf %dot_general3A_30, %dot_general3A_35 : vector<256x512xf32>
      %get3A_36 = arith.constant 0 : index
      %get3A_37 = arith.constant 0 : index
      %get3A_38 = vector.load %arg11[%get3A_36, %get3A_37] : memref<512x512xbf16, #tpu.memory_space<vmem>>, vector<512x512xbf16>
      %dot_general3A_39 = arith.constant dense<0.000000e+00> : vector<256x512xf32>
      %dot_general3A_40 = tpu.matmul %convert_element_type3A_25, %get3A_38, %dot_general3A_39 {dimension_numbers = #tpu.dot_dimension_numbers<[1], [0], [0], [1], [0, 0, 1, 1], [], []>, transpose_lhs_hint = false} : vector<256x512xbf16>, vector<512x512xbf16>, vector<256x512xf32> -> vector<256x512xf32>
      %get3A_41 = arith.constant 0 : index
      %get3A_42 = arith.constant 0 : index
      %get3A_43 = vector.load %arg12[%get3A_41, %get3A_42] : memref<512x512xbf16, #tpu.memory_space<vmem>>, vector<512x512xbf16>
      %dot_general3A_44 = arith.constant dense<0.000000e+00> : vector<256x512xf32>
      %dot_general3A_45 = tpu.matmul %convert_element_type3A_26, %get3A_43, %dot_general3A_44 {dimension_numbers = #tpu.dot_dimension_numbers<[1], [0], [0], [1], [0, 0, 1, 1], [], []>, transpose_lhs_hint = false} : vector<256x512xbf16>, vector<512x512xbf16>, vector<256x512xf32> -> vector<256x512xf32>
      %add3A_46 = arith.addf %dot_general3A_40, %dot_general3A_45 : vector<256x512xf32>
      %logistic3A = arith.negf %add3A : vector<256x512xf32>
      %logistic3A_47 = math.exp %logistic3A : vector<256x512xf32>
      %logistic3A_48 = arith.constant 1.000000e+00 : f32
      %logistic3A_49 = vector.broadcast %logistic3A_48 : f32 to vector<256x512xf32>
      %logistic3A_50 = arith.addf %logistic3A_49, %logistic3A_47 : vector<256x512xf32>
      %logistic3A_51 = arith.divf %logistic3A_49, %logistic3A_50 : vector<256x512xf32>
      %mul3A = arith.mulf %add3A, %logistic3A_51 : vector<256x512xf32>
      %mul3A_52 = arith.mulf %mul3A, %add3A_46 : vector<256x512xf32>
      %convert_element_type3A_53 = arith.truncf %mul3A_52 : vector<256x512xf32> to vector<256x512xbf16>
      %get3A_54 = arith.constant 0 : index
      %get3A_55 = arith.constant 0 : index
      %get3A_56 = vector.load %arg13[%get3A_54, %get3A_55] : memref<512x1024xbf16, #tpu.memory_space<vmem>>, vector<512x1024xbf16>
      %dot_general3A_57 = arith.constant dense<0.000000e+00> : vector<256x1024xf32>
      %dot_general3A_58 = tpu.matmul %convert_element_type3A_53, %get3A_56, %dot_general3A_57 {dimension_numbers = #tpu.dot_dimension_numbers<[1], [0], [0], [1], [0, 0, 1, 1], [], []>, transpose_lhs_hint = false} : vector<256x512xbf16>, vector<512x1024xbf16>, vector<256x1024xf32> -> vector<256x1024xf32>
      %slice3A = vector.extract_strided_slice %dot_general3A_58 {offsets = [0, 0], sizes = [256, 512], strides = [1, 1]} : vector<256x1024xf32> to vector<256x512xf32>
      %convert_element_type3A_59 = arith.truncf %slice3A : vector<256x512xf32> to vector<256x512xbf16>
      %slice3A_60 = vector.extract_strided_slice %dot_general3A_58 {offsets = [0, 512], sizes = [256, 512], strides = [1, 1]} : vector<256x1024xf32> to vector<256x512xf32>
      %convert_element_type3A_61 = arith.truncf %slice3A_60 : vector<256x512xf32> to vector<256x512xbf16>
      %bitcast_convert_type3A_62 = tpu.bitcast %convert_element_type3A_59 : vector<256x512xbf16> -> vector<256x512xi16>
      %convert_element_type3A_63 = arith.extui %bitcast_convert_type3A_62 : vector<256x512xi16> to vector<256x512xi32>
      %bitcast_convert_type3A_64 = tpu.bitcast %convert_element_type3A_61 : vector<256x512xbf16> -> vector<256x512xi16>
      %convert_element_type3A_65 = arith.extui %bitcast_convert_type3A_64 : vector<256x512xi16> to vector<256x512xi32>
      %shift_left3A_66 = arith.constant 16 : i32
      %shift_left3A_67 = vector.broadcast %shift_left3A_66 : i32 to vector<256x512xi32>
      %shift_left3A_68 = arith.shli %convert_element_type3A_65, %shift_left3A_67 : vector<256x512xi32>
      %or3A_69 = arith.ori %convert_element_type3A_63, %shift_left3A_68 : vector<256x512xi32>
      %bitcast_convert_type3A_70 = tpu.bitcast %or3A_69 : vector<256x512xi32> -> vector<256x512xf32>
      %swap3A = arith.constant 0 : index
      %swap3A_71 = arith.constant 0 : index
      %swap3A_72 = vector.load %arg8[%swap3A, %swap3A_71] : memref<256x512xf32, #tpu.memory_space<vmem>>, vector<256x512xf32>
      tpu.vector_store %arg8[%swap3A, %swap3A_71], %bitcast_convert_type3A_70 {strides = array<i32>} : memref<256x512xf32, #tpu.memory_space<vmem>>, vector<256x512xf32>,
    } else {
    }
    return
  }
  func.func @transform_0(%arg0: i32, %arg1: memref<40xi32, #tpu.memory_space<smem>>) -> (i32, i32) {
    %c0_i32 = arith.constant 0 : i32
    %c0_i32_0 = arith.constant 0 : i32
    return %arg0, %c0_i32 : i32, i32
  }
  func.func @transform_1(%arg0: i32, %arg1: memref<40xi32, #tpu.memory_space<smem>>) -> (i32, i32, i32) {
    %get3A = arith.index_cast %arg0 : i32 to index
    %get3A_0 = memref.load %arg1[%get3A] : memref<40xi32, #tpu.memory_space<smem>>
    %min3A = arith.constant 7 : i32
    %min3A_1 = arith.minsi %get3A_0, %min3A : i32
    %c0_i32 = arith.constant 0 : i32
    %c0_i32_2 = arith.constant 0 : i32
    %c0_i32_3 = arith.constant 0 : i32
    return %min3A_1, %c0_i32, %c0_i32_2 : i32, i32, i32
  }
  func.func @transform_2(%arg0: i32, %arg1: memref<40xi32, #tpu.memory_space<smem>>) -> (i32, i32, i32) {
    %get3A = arith.index_cast %arg0 : i32 to index
    %get3A_0 = memref.load %arg1[%get3A] : memref<40xi32, #tpu.memory_space<smem>>
    %min3A = arith.constant 7 : i32
    %min3A_1 = arith.minsi %get3A_0, %min3A : i32
    %c1_i32 = arith.constant 1 : i32
    %c0_i32 = arith.constant 0 : i32
    %c0_i32_2 = arith.constant 0 : i32
    return %min3A_1, %c1_i32, %c0_i32 : i32, i32, i32
  }
  func.func @transform_3(%arg0: i32, %arg1: memref<40xi32, #tpu.memory_space<smem>>) -> (i32, i32, i32) {
    %get3A = arith.index_cast %arg0 : i32 to index
    %get3A_0 = memref.load %arg1[%get3A] : memref<40xi32, #tpu.memory_space<smem>>
    %min3A = arith.constant 7 : i32
    %min3A_1 = arith.minsi %get3A_0, %min3A : i32
    %c0_i32 = arith.constant 0 : i32
    %c0_i32_2 = arith.constant 0 : i32
    %c0_i32_3 = arith.constant 0 : i32
    return %min3A_1, %c0_i32, %c0_i32_2 : i32, i32, i32
  }
  func.func @transform_4(%arg0: i32, %arg1: memref<40xi32, #tpu.memory_space<smem>>) -> (i32, i32, i32) {
    %get3A = arith.index_cast %arg0 : i32 to index
    %get3A_0 = memref.load %arg1[%get3A] : memref<40xi32, #tpu.memory_space<smem>>
    %min3A = arith.constant 7 : i32
    %min3A_1 = arith.minsi %get3A_0, %min3A : i32
    %c1_i32 = arith.constant 1 : i32
    %c0_i32 = arith.constant 0 : i32
    %c0_i32_2 = arith.constant 0 : i32
    return %min3A_1, %c1_i32, %c0_i32 : i32, i32, i32
  }
  func.func @transform_5(%arg0: i32, %arg1: memref<40xi32, #tpu.memory_space<smem>>) -> (i32, i32, i32) {
    %get3A = arith.index_cast %arg0 : i32 to index
    %get3A_0 = memref.load %arg1[%get3A] : memref<40xi32, #tpu.memory_space<smem>>
    %min3A = arith.constant 7 : i32
    %min3A_1 = arith.minsi %get3A_0, %min3A : i32
    %c0_i32 = arith.constant 0 : i32
    %c0_i32_2 = arith.constant 0 : i32
    %c0_i32_3 = arith.constant 0 : i32
    return %min3A_1, %c0_i32, %c0_i32_2 : i32, i32, i32
  }
  func.func @transform_6(%arg0: i32, %arg1: memref<40xi32, #tpu.memory_space<smem>>) -> (i32, i32) {
    %c0_i32 = arith.constant 0 : i32
    %c0_i32_0 = arith.constant 0 : i32
    return %arg0, %c0_i32 : i32, i32
  }
}

module attributes {stable_mosaic.version = 14 : i64} {
  func.func @_scale_body(%arg0: i32, %arg1: memref<512x512xf32, #tpu.memory_space<vmem>>, %arg2: memref<512x512xf32, #tpu.memory_space<vmem>>, %arg3: memref<512x2xf32, #tpu.memory_space<vmem>>, %arg4: memref<512x1024xf32, #tpu.memory_space<vmem>>) attributes {dimension_semantics = [#tpu.dimension_semantics<arbitrary>], iteration_bounds = array<i64: 8>, scalar_prefetch = 0 : i64, scratch_operands = 0 : i64, tpu.core_type = #tpu.core_type<tc>, window_params = [{transform_indices = @transform_0, window_bounds = array<i64: 512, 512>}, {transform_indices = @transform_1, window_bounds = array<i64: 512, 512>}, {transform_indices = @transform_2, window_bounds = array<i64: 512, 2>}, {transform_indices = @transform_3, window_bounds = array<i64: 512, 1024>}]} {
    %get3A = arith.constant 0 : index
    %get3A_0 = arith.constant 0 : index
    %get3A_1 = vector.load %arg1[%get3A, %get3A_0] : memref<512x512xf32, #tpu.memory_space<vmem>>, vector<512x512xf32>
    %bitcast_convert_type3A = tpu.bitcast %get3A_1 : vector<512x512xf32> -> vector<512x512xi32>
    %shift_left3A = arith.constant 16 : i32
    %shift_left3A_2 = vector.broadcast %shift_left3A : i32 to vector<512x512xi32>
    %shift_left3A_3 = arith.shli %bitcast_convert_type3A, %shift_left3A_2 : vector<512x512xi32>
    %bitcast_convert_type3A_4 = tpu.bitcast %shift_left3A_3 : vector<512x512xi32> -> vector<512x512xf32>
    %and3A = arith.constant -65536 : i32
    %and3A_5 = vector.broadcast %and3A : i32 to vector<512x512xi32>
    %and3A_6 = arith.andi %bitcast_convert_type3A, %and3A_5 : vector<512x512xi32>
    %bitcast_convert_type3A_7 = tpu.bitcast %and3A_6 : vector<512x512xi32> -> vector<512x512xf32>
    %get3A_8 = arith.constant 0 : index
    %get3A_9 = arith.constant 0 : index
    %get3A_10 = vector.load %arg2[%get3A_8, %get3A_9] : memref<512x512xf32, #tpu.memory_space<vmem>>, vector<512x512xf32>
    %bitcast_convert_type3A_11 = tpu.bitcast %get3A_10 : vector<512x512xf32> -> vector<512x512xi32>
    %shift_left3A_12 = arith.constant 16 : i32
    %shift_left3A_13 = vector.broadcast %shift_left3A_12 : i32 to vector<512x512xi32>
    %shift_left3A_14 = arith.shli %bitcast_convert_type3A_11, %shift_left3A_13 : vector<512x512xi32>
    %bitcast_convert_type3A_15 = tpu.bitcast %shift_left3A_14 : vector<512x512xi32> -> vector<512x512xf32>
    %and3A_16 = arith.constant -65536 : i32
    %and3A_17 = vector.broadcast %and3A_16 : i32 to vector<512x512xi32>
    %and3A_18 = arith.andi %bitcast_convert_type3A_11, %and3A_17 : vector<512x512xi32>
    %bitcast_convert_type3A_19 = tpu.bitcast %and3A_18 : vector<512x512xi32> -> vector<512x512xf32>
    %get3A_20 = arith.constant 0 : index
    %get3A_21 = arith.constant 0 : index
    %get3A_22 = vector.load %arg3[%get3A_20, %get3A_21] : memref<512x2xf32, #tpu.memory_space<vmem>>, vector<512x1xf32>
    %get3A_23 = arith.constant 0 : index
    %get3A_24 = arith.constant 1 : index
    %get3A_25 = vector.load %arg3[%get3A_23, %get3A_24] : memref<512x2xf32, #tpu.memory_space<vmem>>, vector<512x1xf32>
    %mul3A = vector.broadcast %get3A_22 : vector<512x1xf32> to vector<512x512xf32>
    %mul3A_26 = arith.mulf %bitcast_convert_type3A_4, %mul3A : vector<512x512xf32>
    %mul3A_27 = vector.broadcast %get3A_25 : vector<512x1xf32> to vector<512x512xf32>
    %mul3A_28 = arith.mulf %bitcast_convert_type3A_15, %mul3A_27 : vector<512x512xf32>
    %add3A = arith.addf %mul3A_26, %mul3A_28 : vector<512x512xf32>
    %mul3A_29 = vector.broadcast %get3A_22 : vector<512x1xf32> to vector<512x512xf32>
    %mul3A_30 = arith.mulf %bitcast_convert_type3A_7, %mul3A_29 : vector<512x512xf32>
    %mul3A_31 = vector.broadcast %get3A_25 : vector<512x1xf32> to vector<512x512xf32>
    %mul3A_32 = arith.mulf %bitcast_convert_type3A_19, %mul3A_31 : vector<512x512xf32>
    %add3A_33 = arith.addf %mul3A_30, %mul3A_32 : vector<512x512xf32>
    %concatenate3A = tpu.concatenate %add3A, %add3A_33 in 1 : vector<512x512xf32>, vector<512x512xf32> -> vector<512x1024xf32>
    %swap3A = arith.constant 0 : index
    %swap3A_34 = arith.constant 0 : index
    %swap3A_35 = vector.load %arg4[%swap3A, %swap3A_34] : memref<512x1024xf32, #tpu.memory_space<vmem>>, vector<512x1024xf32>
    tpu.vector_store %arg4[%swap3A, %swap3A_34], %concatenate3A {strides = array<i32>} : memref<512x1024xf32, #tpu.memory_space<vmem>>, vector<512x1024xf32>,
    return
  }
  func.func @transform_0(%arg0: i32) -> (i32, i32) {
    %c0_i32 = arith.constant 0 : i32
    %c0_i32_0 = arith.constant 0 : i32
    return %arg0, %c0_i32 : i32, i32
  }
  func.func @transform_1(%arg0: i32) -> (i32, i32) {
    %c0_i32 = arith.constant 0 : i32
    %c0_i32_0 = arith.constant 0 : i32
    return %arg0, %c0_i32 : i32, i32
  }
  func.func @transform_2(%arg0: i32) -> (i32, i32) {
    %c0_i32 = arith.constant 0 : i32
    %c0_i32_0 = arith.constant 0 : i32
    return %arg0, %c0_i32 : i32, i32
  }
  func.func @transform_3(%arg0: i32) -> (i32, i32) {
    %c0_i32 = arith.constant 0 : i32
    %c0_i32_0 = arith.constant 0 : i32
    return %arg0, %c0_i32 : i32, i32
  }
}

</mosaic_0001>

<sc_bundles>
// kernel: kernel.10.cloned.1.call-start
scs
__scs_entry_jumppad:
0x0: {  	(pc) =	sbr.rel $0x88, $3  }
0x1: {  	(tag) =	ssettag $0x0;
	lr =	simm.s32 $0x1  }
0x2: {  	[smem:$0x3F9C] =	sst lr;
	_ =	strace $0xD0000000  }
0x3: {  	_ = 	snop  }
0x4: {  	_ = 	snop  }
0x5: {  	_ = 	snop  }
0x6: {  	_ = 	snop  }
0x7: {  	_ = 	snop  }
__scs_overlays_trampoline_lowered:
0x8: {  	[smem:$0x3FAB] =	sst s0  }
0x9: {  	[smem:$0x3FAC] =	sst s1  }
0xa: {  	[smem:$0x3FAD] =	sst s2  }
0xb: {  	[smem:$0x3FAE] =	sst s3  }
0xc: {  	[smem:$0x3FAF] =	sst s4  }
0xd: {  	[smem:$0x3FB0] =	sst s5  }
0xe: {  	[smem:$0x3FB1] =	sst s6  }
0xf: {  	[smem:$0x3FB2] =	sst s7  }
0x10: {  	[smem:$0x3FB3] =	sst s8  }
0x11: {  	[smem:$0x3FB4] =	sst s9;
	s0 =	simm.s32 @!p0 $0x0  }
0x12: {  	s1 =	sld [smem:$0x3F9A];
	s0 =	simm.s32 @p0 $0x1  }
0x13: {  	[smem:$0x3FB5] =	sst s0;
	s0 =	simm.s32 @!p1 $0x0  }
0x14: {  	s2 =	sld [smem:$0x3F99];
	s0 =	simm.s32 @p1 $0x1  }
0x15: {  	[smem:$0x3FB6] =	sst s0;
	s0 =	simm.s32 @!p2 $0x0  }
0x16: {  	s3 =	sld [smem:$0x3FDB];
	s0 =	simm.s32 @p2 $0x1  }
0x17: {  	s4 =	simm.s32 $0x1BF5;
	[smem:$0x3FB8] =	sst s0  }
0x18: {  	s0 =	sld [smem:$0x3F9B];
	_ =	swait.ge [sflag:s4], $0x0  }
0x19: {  	s7 =	sld [smem:$0x3F9C]  }
0x1a: {  	s8 =	sadd.s32 $0xFFFFE003, lr  }
0x1b: {  	s9 =	sadd.s32 $0xFFFFFEF7, lr;
	s5 =	simm.s32 $0xFFFFFFFF;
	p2 =	slt.u32 s8, $0xFFFFF086  }
0x1c: {  	p1 =	slt.u32 s9, $0xF7A;
	s5 =	simm.s32 @!p2 $0x0  }
0x1d: {  	s5 =	simm.s32 @p1 $0x1;
	p0 =	seq.s32 s7, s2  }
0x1e: {  	s7 =	smul.u32 @!p0 $0xF7A, s2;
	p2 =	seq.s32 @!p0 s5, $0x0  }
0x1f: {  	s9 =	smul.u32 $0xF7A, s1;
	s8 =	simm.s32 @!p0 $0x1BF5;
	p2 =	por !p2, p0  }
0x20: {  	[sflag:s8] =	ssyncset.s32 @!p0 $0xFFFFF086;
	s6 =	sadd.s32 @!p0 s3, s7;
	s7 =	simm.s32 @!p0 $0x108  }
0x21: {  	s3 =	sadd.s32 s3, s9;
	s6 =	sadd.s32 @!p0 $0x88, s6;
	s7 =	simm.s32 @p2 $0x1082  }
0x22: {  	[simem:s7], [sflag:s8] =	dma.local @!p0 [hbm:s6], $0xF7A  }
0x23: {  	s9 =	sor.u32 $0xD0000000, s2;
	s6 =	simm.s32 $0x108;
	_ =	swait.ge @!p0 [sflag:s8], $0x0  }
0x24: {  	s3 =	sadd.s32 $0x88, s3;
	s6 =	simm.s32 @!p1 $0x1082;
	[sflag:s4] =	ssyncset.s32 $0xFFFFF086  }
0x25: {  	[simem:s6], [sflag:s4] =	dma.local [hbm:s3], $0xF7A  }
0x26: {  	[smem:$0x3F9C] =	sst s1;
	(tag) =	ssettag s2;
	_ =	strace s9  }
0x27: {  	s1 =	sld [smem:$0x3FAC]  }
0x28: {  	s2 =	sld [smem:$0x3FAD]  }
0x29: {  	s4 =	sld [smem:$0x3FAF]  }
0x2a: {  	p0 =	seq.s32 s5, $0x0;
	s5 =	sld [smem:$0x3FB0]  }
0x2b: {  	s6 =	sld [smem:$0x3FB1]  }
0x2c: {  	s7 =	sld [smem:$0x3FB2]  }
0x2d: {  	s3 =	simm.s32 $0x108;
	s8 =	sld [smem:$0x3FB3]  }
0x2e: {  	s3 =	simm.s32 @!p0 $0x1082;
	s9 =	sld [smem:$0x3FB4]  }
0x2f: {  	lr =	sadd.s32 s0, s3;
	s0 =	sld [smem:$0x3FAB]  }
0x30: {  	s3 =	sld [smem:$0x3FAE]  }
0x31: {  	[smem:$0x3FB7] =	sst s10  }
0x32: {  	s10 =	sld [smem:$0x3FB5];
	_ =	sdelay $0x3  }
0x33: {  	p0 =	seq.s32 s10, $0x1;
	s10 =	sld [smem:$0x3FB7];
	_ =	sdelay $0x3  }
0x34: {  	[smem:$0x3FB7] =	sst s10  }
0x35: {  	s10 =	sld [smem:$0x3FB6];
	_ =	sdelay $0x3  }
0x36: {  	p1 =	seq.s32 s10, $0x1;
	s10 =	sld [smem:$0x3FB7];
	_ =	sdelay $0x3  }
0x37: {  	[smem:$0x3FB7] =	sst s10  }
0x38: {  	s10 =	sld [smem:$0x3FB8]  }
0x39: {  	_ = 	snop;
	(pc) =	sbr.ind lr, $3  }
0x3a: {  	_ = 	snop  }
0x3b: {  	_ = 	snop  }
0x3c: {  	p2 =	seq.s32 s10, $0x1;
	s10 =	sld [smem:$0x3FB7]  }
0x3d: {  	_ =	shalt  }
0x3e: {  	_ =	shalt  }
0x3f: {  	_ =	shalt  }
0x40: {  	_ =	shalt  }
0x41: {  	_ =	shalt  }
0x42: {  	_ =	shalt  }
0x43: {  	_ =	shalt  }
0x44: {  	_ =	shalt  }
0x45: {  	_ =	shalt  }
0x46: {  	_ =	shalt  }
0x47: {  	_ =	shalt  }
0x48: {  	_ =	shalt  }
0x49: {  	_ =	shalt  }
0x4a: {  	_ =	shalt  }
0x4b: {  	_ =	shalt  }
0x4c: {  	_ =	shalt  }
0x4d: {  	_ =	shalt  }
0x4e: {  	_ =	shalt  }
0x4f: {  	_ =	shalt  }
0x50: {  	_ =	shalt  }
0x51: {  	_ =	shalt  }
0x52: {  	_ =	shalt  }
0x53: {  	_ =	shalt  }
0x54: {  	_ =	shalt  }
0x55: {  	_ =	shalt  }
0x56: {  	_ =	shalt  }
0x57: {  	_ =	shalt  }
0x58: {  	_ =	shalt  }
0x59: {  	_ =	shalt  }
0x5a: {  	_ =	shalt  }
0x5b: {  	_ =	shalt  }
0x5c: {  	_ =	shalt  }
0x5d: {  	_ =	shalt  }
0x5e: {  	_ =	shalt  }
0x5f: {  	_ =	shalt  }
0x60: {  	_ =	shalt  }
0x61: {  	_ =	shalt  }
0x62: {  	_ =	shalt  }
0x63: {  	_ =	shalt  }
0x64: {  	_ =	shalt  }
0x65: {  	_ =	shalt  }
0x66: {  	_ =	shalt  }
0x67: {  	_ =	shalt  }
0x68: {  	_ =	shalt  }
0x69: {  	_ =	shalt  }
0x6a: {  	_ =	shalt  }
0x6b: {  	_ =	shalt  }
0x6c: {  	_ =	shalt  }
0x6d: {  	_ =	shalt  }
0x6e: {  	_ =	shalt  }
0x6f: {  	_ =	shalt  }
0x70: {  	_ =	shalt  }
0x71: {  	_ =	shalt  }
0x72: {  	_ =	shalt  }
0x73: {  	_ =	shalt  }
0x74: {  	_ =	shalt  }
0x75: {  	_ =	shalt  }
0x76: {  	_ =	shalt  }
0x77: {  	_ =	shalt  }
0x78: {  	_ =	shalt  }
0x79: {  	_ =	shalt  }
0x7a: {  	_ =	shalt  }
0x7b: {  	_ =	shalt  }
0x7c: {  	_ =	shalt  }
0x7d: {  	_ =	shalt  }
0x7e: {  	_ =	shalt  }
0x7f: {  	_ =	shalt  }
0x80: {  	_ =	shalt  }
0x81: {  	_ =	shalt  }
0x82: {  	_ =	shalt  }
0x83: {  	_ =	shalt  }
0x84: {  	_ =	shalt  }
0x85: {  	_ =	shalt  }
0x86: {  	_ =	shalt  }
0x87: {  	_ =	shalt  }
.Lfunc_end0:
.L_simem_size_0:
called_computation.1_lowered:
.L_overlay_start_0:
0x88: {  	s2 =	sld [smem:$0x3FD9]  }
0x89: {  	s3 =	sld [smem:$0x3FFE];
	_ =	sdelay $0x1  }
0x8a: {  	s1 =	srdreg.scid  }
0x8b: {  	s0 =	sand.u32 $0x1, s1  }
0x8c: {  	s17 =	sshll.u32 s0, $0xA;
	s2 =	sadd.s32 s3, s2  }
0x8d: {  	s2 =	sadd.s32 s2, s17  }
0x8e: {  	[smem:$0x3FC3] =	sst s2  }
0x8f: {  	_ = 	snop  }
0x90: {  	s2 =	sld [smem:$0x3FD0];
	(tm) =	ssettm $0x1  }
0x91: {  	s18 =	sld [smem:$0x3FFB];
	_ =	sdelay $0x3  }
0x92: {  	_ =	strace s18  }
0x93: {  	s3 =	sld [smem:$0x3FFC];
	_ =	sdelay $0x3  }
0x94: {  	_ =	strace s3  }
0x95: {  	s3 =	sld [smem:$0x3FFD];
	_ =	sdelay $0x3  }
0x96: {  	_ =	strace s3  }
0x97: {  	_ =	strace $0x8FFFFFFF  }
0x98: {  	s19 =	sld [smem:$0x3FDB];
	_ =	sdelay $0x1  }
0x99: {  	s4 =	simm.s32 $_scs_section_size  }
0x9a: {  	s5 =	simm.s32 $_size__tile_overlayer_lowered;
	s6 =	simm.s32 $_tile_overlayer_lowered  }
0x9b: {  	s22 =	simm.s32 $0x1BFF;
	s21 =	sshll.u32 s6, $0x1;
	s3 =	sadd.s32 s4, s19  }
0x9c: {  	s7 =	simm.s32 $0x0;
	s20 =	sshll.u32 s5, $0x1;
	s5 =	sadd.s32 s21, s3  }
0x9d: {  	[timem:s7], [sflag:s22] =	dma.local [hbm:s5], s20  }
0x9e: {  	_ =	swait.ge [sflag:s22], s20  }
0x9f: {  	s4 =	ssub.s32 $0x0, s20;
	[sflag:s22] =	ssyncset.done $0x0  }
0xa0: {  	[sflag:s22] =	ssyncadd.s32 s4;
	_ =	sdelay $0x1  }
0xa1: {  	s23 =	simm.s32 $0x1B8B  }
0xa2: {  	_ =	swait.ge [sflag:s23], $0x1  }
0xa3: {  	[sflag:s23] =	ssyncset.done $0x0  }
0xa4: {  	s25 =	simm.s32 $0x1B8E;
	s24 =	sld [smem:$0x3FFE];
	[sflag:s23] =	ssyncadd.s32 $0xFFFFFFFF  }
0xa5: {  	s26 =	simm.s32 $execute0_lowered;
	[smem:$0x3FD2] =	sst s25  }
0xa6: {  	s5 =	sshll.u32 s26, $0x1;
	_ =	strace $0x80000049;
	[dreg:$0x1] =	wrdreg $0xFFFFFFFF  }
0xa7: {  	s28 =	simm.s32 $_size_execute0_lowered;
	s3 =	sadd.s32 s3, s5;
	[dreg:$0x0] =	wrdreg $0x0  }
0xa8: {  	s5 =	sshll.u32 s28, $0x1;
	[dreg:$0x2] =	wrdreg s3  }
0xa9: {  	[dreg:$0x3] =	wrdreg s5  }
0xaa: {  	[dreg:$0x4] =	wrdreg $0xC0  }
0xab: {  	_ =	task [dreg:s7], $0x5FFFF  }
0xac: {  	[dreg:$0x1] =	wrdreg $0xFFFFFFFF  }
0xad: {  	[dreg:$0x0] =	wrdreg $0x60  }
0xae: {  	[dreg:$0x2] =	wrdreg s24  }
0xaf: {  	[dreg:$0x3] =	wrdreg s2  }
0xb0: {  	[dreg:$0x4] =	wrdreg $0x9  }
0xb1: {  	_ =	task.clear_ibuf [dreg:s7], $0x5FFFF;
	_ =	strace $0x90000049  }
0xb2: {  	s29 =	simm.s32 $0x9;
	_ =	strace $0x8000004B  }
0xb3: {  	_ =	swait.ge [sflag:s29], $0x1  }
0xb4: {  	[sflag:s29] =	ssyncadd.s32 $0xFFFFFFFF  }
0xb5: {  	_ =	strace $0x9000004B  }
0xb6: {  	_ =	sfence  }
0xb7: {  	s30 =	sld [smem:$0x0];
	_ =	sdelay $0x2  }
0xb8: {  	s31 =	sshll.u32 s1, $0xD;
	s1 =	sshrl.u32 s1, $0x2  }
0xb9: {  	s3 =	sand.u32 $0x4000, s31;
	s1 =	sadd.s32 s1, s30  }
0xba: {  	s0 =	sor.u32 s3, s0;
	s1 =	sshll.u32 s1, $0x11  }
0xbb: {  	s0 =	sor.u32 s1, s0  }
0xbc: {  	s0 =	sadd.s32 $0x8F2B, s0  }
0xbd: {  	[sflag:s0] =	ssyncadd.remote.s32 $0x1  }
0xbe: {  	_ =	sfence.sel $0xFFFF  }
0xbf: {  	[dreg:$0x0] =	wrdreg $0xFFFFFFFF;
	(pc) =	sbr.abs _section_cstart, $3  }
0xc0: {  	[dreg:$0x1] =	wrdreg $0xFFFFFFFF  }
0xc1: {  	_ =	task.clear_ibuf [dreg:s7], $0x2FFFF;
	_ =	strace $0x9FFFFFFF  }
0xc2: {  	(tm) =	ssettm $0x7FFFFFFF  }
0xc3: {  	_ =	shalt  }
tec
execute0_lowered:
.L_overlay_start_1:
0x0: {  	(tag) =	ssettag $0x1  }
0x1: {  	s9 =	rddreg [dreg:$0x0]  }
0x2: {  	s2 =	rddreg [dreg:$0x1]  }
0x3: {  	s4 =	srdreg.scid;
	s3 =	simm.s32 $0x0;
	s0 =	stileid.u32  }
0x4: {  	s12 =	simm.s32 $0x80;
	s13 =	simm.s32 $0x100;
	s14 =	simm.s32 $0x900  }
0x5: {  	s15 =	simm.s32 $0x1100;
	s16 =	simm.s32 $0x1900;
	s17 =	simm.s32 $0x2100  }
0x6: {  	s18 =	simm.s32 $0x2900;
	s19 =	simm.s32 $0x3100;
	s20 =	simm.s32 $0x3900  }
0x7: {  	s21 =	simm.s32 $0x4100;
	s22 =	simm.s32 $0x4900;
	s23 =	simm.s32 $0x5100  }
0x8: {  	s24 =	simm.s32 $0x5900;
	s25 =	simm.s32 $0x6100;
	s28 =	simm.s32 $0x7100  }
0x9: {  	s29 =	simm.s32 $0x7900;
	s30 =	simm.s32 $0x0;
	s6 =	sand.u32 $0x1, s4  }
0xa: {  	[smem:$0x7FF] =	sst s3;
	s26 =	sshll.u32 s0, $0x8;
	s5 =	sshll.u32 s6, $0x7  }
0xb: {  	_ =	strace $0x8000004A;
	s8 =	ssub.s32 $0x2, s6;
	s4 =	sor.u32 s5, s26  }
0xc: {  	s6 =	sadd.s32 $0x2800, s9;
	s5 =	sadd.s32 $0xA3600, s9;
	s7 =	sshrl.u32 s4, $0x3  }
0xd: {  	v2 =	vlaneseq.u32;
	s31 =	sshrl.u32 s8, $0x1;
	s26 =	simm.s32 $0x6900;
	s10 =	sadd.s32 s7, s9  }
0xe: {  	vm0 =	vmmov $0xffff;
	v1 =	vshrl.u32 v2, $0x3;
	s11 =	ssub.s32 s8, s31;
	s9 =	sadd.s32 $0xA3700, s9;
	s7 =	sadd.s32 $0xA3200, s10  }
0xf: {  	v0 =	vand.u32 $0x7, v2;
	v2 =	vor.u32 $0x8, v2;
	v1 =	vmul.u32 $0x8, v1;
	s8 =	sadd.s32 $0xA3400, s10;
	s10 =	smax.u32 s11, $0x1;
	s11 =	simm.s32 $0x1  }
.LBB2_1:
0x10: {  	[tilespmem:s3], [sflag:$0x1] =	stream.linear.gather [hbm4b:s7+s3], $0x80, $0x38;
	[tilespmem:$0x8100] =	vst v63  }
0x11: {  	_ =	swait.ge [sflag:s11], $0x80  }
0x12: {  	[sflag:s11] =	ssyncset.done $0x0  }
0x13: {  	[sflag:s11] =	ssyncadd.s32 $0xFFFFFF80  }
0x14: {  	[tilespmem:s12], [sflag:$0x1] =	stream.linear.gather [hbm4b:s8+s3], $0x80, $0x38;
	[tilespmem:$0x8100] =	vst v63  }
0x15: {  	_ =	swait.ge [sflag:s11], $0x80  }
0x16: {  	[sflag:s11] =	ssyncset.done $0x0  }
0x17: {  	p0 =	por $0x1, $0x1;
	s31 =	simm.s32 $0x0;
	[sflag:s11] =	ssyncadd.s32 $0xFFFFFF80  }
.LBB2_2:
0x18: {  	v3 =	vld [tilespmem:s31+$0x0];
	_ =	sdelay $0x4  }
0x19: {  	v4 =	vshll.u32 v3, $0x2  }
0x1a: {  	v3 =	vand.u32 $0x7, v3;
	v4 =	vand.u32 $0xFFFFFFE0, v4  }
0x1b: {  	v3 =	vor.u32 v3, v4  }
0x1c: {  	v4 =	vperm.xlane v3, v0;
	_ =	sdelay $0x1  }
0x1d: {  	v4 =	vadd.s32 v1, v4;
	_ =	sdelay $0x1  }
0x1e: {  	v3 =	vperm.xlane v3, v2;
	_ =	sdelay $0x1  }
0x1f: {  	v3 =	vadd.s32 v1, v3  }
0x20: {  	[tilespmem:s13], [sflag:$0x1] =	stream.indirect_vreg.gather [hbm4b:s5+s3], $0x80, v4, vm0, $0xb8;
	[tilespmem:$0x8100] =	vst v63  }
0x21: {  	_ = 	snop  }
0x22: {  	[tilespmem:s14], [sflag:$0x1] =	stream.indirect_vreg.gather [hbm4b:s9+s3], $0x80, v4, vm0, $0xb8;
	[tilespmem:$0x8100] =	vst v63  }
0x23: {  	_ = 	snop  }
0x24: {  	[tilespmem:s15], [sflag:$0x1] =	stream.indirect_vreg.gather [hbm4b:s5+s3], $0x80, v3, vm0, $0xb8;
	[tilespmem:$0x8100] =	vst v63  }
0x25: {  	_ = 	snop  }
0x26: {  	[tilespmem:s16], [sflag:$0x1] =	stream.indirect_vreg.gather [hbm4b:s9+s3], $0x80, v3, vm0, $0xb8;
	[tilespmem:$0x8100] =	vst v63  }
0x27: {  	v3 =	vld [tilespmem:s31+$0x10];
	_ =	sdelay $0x4  }
0x28: {  	v57 =	vshll.u32 v3, $0x2  }
0x29: {  	v3 =	vand.u32 $0x7, v3;
	v4 =	vand.u32 $0xFFFFFFE0, v57  }
0x2a: {  	v3 =	vor.u32 v3, v4  }
0x2b: {  	v4 =	vperm.xlane v3, v0;
	_ =	sdelay $0x1  }
0x2c: {  	v4 =	vadd.s32 v1, v4;
	_ =	sdelay $0x1  }
0x2d: {  	v3 =	vperm.xlane v3, v2;
	_ =	sdelay $0x1  }
0x2e: {  	v3 =	vadd.s32 v1, v3  }
0x2f: {  	[tilespmem:s17], [sflag:$0x1] =	stream.indirect_vreg.gather [hbm4b:s5+s3], $0x80, v4, vm0, $0xb8;
	[tilespmem:$0x8100] =	vst v63  }
0x30: {  	_ = 	snop  }
0x31: {  	[tilespmem:s18], [sflag:$0x1] =	stream.indirect_vreg.gather [hbm4b:s9+s3], $0x80, v4, vm0, $0xb8;
	[tilespmem:$0x8100] =	vst v63  }
0x32: {  	_ = 	snop  }
0x33: {  	[tilespmem:s19], [sflag:$0x1] =	stream.indirect_vreg.gather [hbm4b:s5+s3], $0x80, v3, vm0, $0xb8;
	[tilespmem:$0x8100] =	vst v63  }
0x34: {  	_ = 	snop  }
0x35: {  	[tilespmem:s20], [sflag:$0x1] =	stream.indirect_vreg.gather [hbm4b:s9+s3], $0x80, v3, vm0, $0xb8;
	[tilespmem:$0x8100] =	vst v63  }
0x36: {  	v3 =	vld [tilespmem:s31+$0x20];
	_ =	sdelay $0x4  }
0x37: {  	v58 =	vshll.u32 v3, $0x2  }
0x38: {  	v3 =	vand.u32 $0x7, v3;
	v4 =	vand.u32 $0xFFFFFFE0, v58  }
0x39: {  	v3 =	vor.u32 v3, v4  }
0x3a: {  	v4 =	vperm.xlane v3, v0;
	_ =	sdelay $0x1  }
0x3b: {  	v4 =	vadd.s32 v1, v4;
	_ =	sdelay $0x1  }
0x3c: {  	v3 =	vperm.xlane v3, v2;
	_ =	sdelay $0x1  }
0x3d: {  	v3 =	vadd.s32 v1, v3  }
0x3e: {  	[tilespmem:s21], [sflag:$0x1] =	stream.indirect_vreg.gather [hbm4b:s5+s3], $0x80, v4, vm0, $0xb8;
	[tilespmem:$0x8100] =	vst v63  }
0x3f: {  	_ = 	snop  }
0x40: {  	[tilespmem:s22], [sflag:$0x1] =	stream.indirect_vreg.gather [hbm4b:s9+s3], $0x80, v4, vm0, $0xb8;
	[tilespmem:$0x8100] =	vst v63  }
0x41: {  	_ = 	snop  }
0x42: {  	[tilespmem:s23], [sflag:$0x1] =	stream.indirect_vreg.gather [hbm4b:s5+s3], $0x80, v3, vm0, $0xb8;
	[tilespmem:$0x8100] =	vst v63  }
0x43: {  	_ = 	snop  }
0x44: {  	[tilespmem:s24], [sflag:$0x1] =	stream.indirect_vreg.gather [hbm4b:s9+s3], $0x80, v3, vm0, $0xb8;
	[tilespmem:$0x8100] =	vst v63  }
0x45: {  	v3 =	vld [tilespmem:s31+$0x30];
	_ =	sdelay $0x4  }
0x46: {  	v59 =	vshll.u32 v3, $0x2  }
0x47: {  	v3 =	vand.u32 $0x7, v3;
	v4 =	vand.u32 $0xFFFFFFE0, v59  }
0x48: {  	v3 =	vor.u32 v3, v4  }
0x49: {  	v4 =	vperm.xlane v3, v0;
	_ =	sdelay $0x1  }
0x4a: {  	v4 =	vadd.s32 v1, v4;
	_ =	sdelay $0x1  }
0x4b: {  	v3 =	vperm.xlane v3, v2;
	_ =	sdelay $0x1  }
0x4c: {  	v3 =	vadd.s32 v1, v3  }
0x4d: {  	[tilespmem:s25], [sflag:$0x1] =	stream.indirect_vreg.gather [hbm4b:s5+s3], $0x80, v4, vm0, $0xb8;
	[tilespmem:$0x8100] =	vst v63  }
0x4e: {  	_ = 	snop  }
0x4f: {  	[tilespmem:s26], [sflag:$0x1] =	stream.indirect_vreg.gather [hbm4b:s9+s3], $0x80, v4, vm0, $0xb8;
	[tilespmem:$0x8100] =	vst v63  }
0x50: {  	_ = 	snop  }
0x51: {  	[tilespmem:s28], [sflag:$0x1] =	stream.indirect_vreg.gather [hbm4b:s5+s3], $0x80, v3, vm0, $0xb8;
	[tilespmem:$0x8100] =	vst v63  }
0x52: {  	_ = 	snop  }
0x53: {  	[tilespmem:s29], [sflag:$0x1] =	stream.indirect_vreg.gather [hbm4b:s9+s3], $0x80, v3, vm0, $0xb8;
	[tilespmem:$0x8100] =	vst v63  }
0x54: {  	s0 =	sor.u32 s4, s31;
	_ =	swait.ge [sflag:s11], $0x8000  }
0x55: {  	s0 =	sshll.u32 s0, $0x6;
	[sflag:s11] =	ssyncset.done $0x0  }
0x56: {  	s1 =	sadd.s32 s2, s0;
	[sflag:s11] =	ssyncadd.s32 $0xFFFF8000  }
0x57: {  	[hbm4b:s1+s3] =	stream.linear.scatter [tilespmem:s13], [sflag:$0x1], $0x8000, $0x38;
	[tilespmem:$0x8100] =	vst v63  }
0x58: {  	_ =	swait.ge [sflag:s11], $0x8000  }
0x59: {  	[sflag:s11] =	ssyncset.done $0x0  }
0x5a: {  	[sflag:s11] =	ssyncadd.s32 $0xFFFF8000  }
0x5b: {  	v3 =	vld [tilespmem:s31+$0x80];
	_ =	sdelay $0x4  }
0x5c: {  	v60 =	vshll.u32 v3, $0x2  }
0x5d: {  	v3 =	vand.u32 $0x7, v3;
	v4 =	vand.u32 $0xFFFFFFE0, v60  }
0x5e: {  	v3 =	vor.u32 v3, v4  }
0x5f: {  	v4 =	vperm.xlane v3, v0;
	_ =	sdelay $0x1  }
0x60: {  	v4 =	vadd.s32 v1, v4;
	_ =	sdelay $0x1  }
0x61: {  	v3 =	vperm.xlane v3, v2;
	_ =	sdelay $0x1  }
0x62: {  	v3 =	vadd.s32 v1, v3  }
0x63: {  	[tilespmem:s13], [sflag:$0x1] =	stream.indirect_vreg.gather [hbm4b:s5+s3], $0x80, v4, vm0, $0xb8;
	[tilespmem:$0x8100] =	vst v63  }
0x64: {  	_ = 	snop  }
0x65: {  	[tilespmem:s14], [sflag:$0x1] =	stream.indirect_vreg.gather [hbm4b:s9+s3], $0x80, v4, vm0, $0xb8;
	[tilespmem:$0x8100] =	vst v63  }
0x66: {  	_ = 	snop  }
0x67: {  	[tilespmem:s15], [sflag:$0x1] =	stream.indirect_vreg.gather [hbm4b:s5+s3], $0x80, v3, vm0, $0xb8;
	[tilespmem:$0x8100] =	vst v63  }
0x68: {  	_ = 	snop  }
0x69: {  	[tilespmem:s16], [sflag:$0x1] =	stream.indirect_vreg.gather [hbm4b:s9+s3], $0x80, v3, vm0, $0xb8;
	[tilespmem:$0x8100] =	vst v63  }
0x6a: {  	v3 =	vld [tilespmem:s31+$0x90];
	_ =	sdelay $0x4  }
0x6b: {  	v61 =	vshll.u32 v3, $0x2  }
0x6c: {  	v3 =	vand.u32 $0x7, v3;
	v4 =	vand.u32 $0xFFFFFFE0, v61  }
0x6d: {  	v3 =	vor.u32 v3, v4  }
0x6e: {  	v4 =	vperm.xlane v3, v0;
	_ =	sdelay $0x1  }
0x6f: {  	v4 =	vadd.s32 v1, v4;
	_ =	sdelay $0x1  }
0x70: {  	v3 =	vperm.xlane v3, v2;
	_ =	sdelay $0x1  }
0x71: {  	v3 =	vadd.s32 v1, v3  }
0x72: {  	[tilespmem:s17], [sflag:$0x1] =	stream.indirect_vreg.gather [hbm4b:s5+s3], $0x80, v4, vm0, $0xb8;
	[tilespmem:$0x8100] =	vst v63  }
0x73: {  	_ = 	snop  }
0x74: {  	[tilespmem:s18], [sflag:$0x1] =	stream.indirect_vreg.gather [hbm4b:s9+s3], $0x80, v4, vm0, $0xb8;
	[tilespmem:$0x8100] =	vst v63  }
0x75: {  	_ = 	snop  }
0x76: {  	[tilespmem:s19], [sflag:$0x1] =	stream.indirect_vreg.gather [hbm4b:s5+s3], $0x80, v3, vm0, $0xb8;
	[tilespmem:$0x8100] =	vst v63  }
0x77: {  	_ = 	snop  }
0x78: {  	[tilespmem:s20], [sflag:$0x1] =	stream.indirect_vreg.gather [hbm4b:s9+s3], $0x80, v3, vm0, $0xb8;
	[tilespmem:$0x8100] =	vst v63  }
0x79: {  	v3 =	vld [tilespmem:s31+$0xA0];
	_ =	sdelay $0x4  }
0x7a: {  	v62 =	vshll.u32 v3, $0x2  }
0x7b: {  	v3 =	vand.u32 $0x7, v3;
	v4 =	vand.u32 $0xFFFFFFE0, v62  }
0x7c: {  	v3 =	vor.u32 v3, v4  }
0x7d: {  	v4 =	vperm.xlane v3, v0;
	_ =	sdelay $0x1  }
0x7e: {  	v4 =	vadd.s32 v1, v4;
	_ =	sdelay $0x1  }
0x7f: {  	v3 =	vperm.xlane v3, v2;
	_ =	sdelay $0x1  }
0x80: {  	v3 =	vadd.s32 v1, v3  }
0x81: {  	[tilespmem:s21], [sflag:$0x1] =	stream.indirect_vreg.gather [hbm4b:s5+s3], $0x80, v4, vm0, $0xb8;
	[tilespmem:$0x8100] =	vst v63  }
0x82: {  	_ = 	snop  }
0x83: {  	[tilespmem:s22], [sflag:$0x1] =	stream.indirect_vreg.gather [hbm4b:s9+s3], $0x80, v4, vm0, $0xb8;
	[tilespmem:$0x8100] =	vst v63  }
0x84: {  	_ = 	snop  }
0x85: {  	[tilespmem:s23], [sflag:$0x1] =	stream.indirect_vreg.gather [hbm4b:s5+s3], $0x80, v3, vm0, $0xb8;
	[tilespmem:$0x8100] =	vst v63  }
0x86: {  	_ = 	snop  }
0x87: {  	[tilespmem:s24], [sflag:$0x1] =	stream.indirect_vreg.gather [hbm4b:s9+s3], $0x80, v3, vm0, $0xb8;
	[tilespmem:$0x8100] =	vst v63  }
0x88: {  	v3 =	vld [tilespmem:s31+$0xB0];
	_ =	sdelay $0x4  }
0x89: {  	v63 =	vshll.u32 v3, $0x2  }
0x8a: {  	v3 =	vand.u32 $0x7, v3;
	v4 =	vand.u32 $0xFFFFFFE0, v63  }
0x8b: {  	v3 =	vor.u32 v3, v4  }
0x8c: {  	v4 =	vperm.xlane v3, v0;
	_ =	sdelay $0x1  }
0x8d: {  	v4 =	vadd.s32 v1, v4;
	_ =	sdelay $0x1  }
0x8e: {  	v3 =	vperm.xlane v3, v2;
	_ =	sdelay $0x1  }
0x8f: {  	v3 =	vadd.s32 v1, v3  }
0x90: {  	[tilespmem:s25], [sflag:$0x1] =	stream.indirect_vreg.gather [hbm4b:s5+s3], $0x80, v4, vm0, $0xb8;
	[tilespmem:$0x8100] =	vst v63  }
0x91: {  	_ = 	snop  }
0x92: {  	[tilespmem:s26], [sflag:$0x1] =	stream.indirect_vreg.gather [hbm4b:s9+s3], $0x80, v4, vm0, $0xb8;
	[tilespmem:$0x8100] =	vst v63  }
0x93: {  	_ = 	snop  }
0x94: {  	[tilespmem:s28], [sflag:$0x1] =	stream.indirect_vreg.gather [hbm4b:s5+s3], $0x80, v3, vm0, $0xb8;
	[tilespmem:$0x8100] =	vst v63  }
0x95: {  	_ = 	snop  }
0x96: {  	[tilespmem:s29], [sflag:$0x1] =	stream.indirect_vreg.gather [hbm4b:s9+s3], $0x80, v3, vm0, $0xb8;
	[tilespmem:$0x8100] =	vst v63  }
0x97: {  	_ =	swait.ge [sflag:s11], $0x8000  }
0x98: {  	p1 =	por p0, p0;
	[sflag:s11] =	ssyncset.done $0x0  }
.Ltmp0:
0x99: {  	s0 =	sadd.s32 s6, s0;
	[sflag:s11] =	ssyncadd.s32 $0xFFFF8000;
	(pc) =	sbr.rel @p1 .LBB2_2-.Ltmp0, $4  }
0x9a: {  	[hbm4b:s0+s3] =	stream.linear.scatter [tilespmem:s13], [sflag:$0x1], $0x8000, $0x38;
	[tilespmem:$0x8100] =	vst v63  }
0x9b: {  	_ =	swait.ge [sflag:s11], $0x8000  }
0x9c: {  	[sflag:s11] =	ssyncset.done $0x0  }
0x9d: {  	p0 =	por $0x0, $0x0;
	s31 =	simm.s32 $0x40;
	[sflag:s11] =	ssyncadd.s32 $0xFFFF8000  }
0x9e: {  	s30 =	sadd.s32 $0x1, s30  }
0x9f: {  	p0 =	sne.s32 s30, s10  }
.Ltmp1:
0xa0: {  	_ = 	snop;
	(pc) =	sbr.rel @p0 .LBB2_1-.Ltmp1, $1  }
0xa1: {  	_ =	sdelay $0x3  }
0xa2: {  	_ =	sfence.sel $0x180000  }
0xa3: {  	[bflag:$0x0] =	sbarrier.arrive $0xFFFF  }
0xa4: {  	_ =	strace $0x9000004A  }
0xa5: {  	s0 =	stileid.u32;
	[bflag:$0x2] =	sbarrier.arrive $0xFFFF  }
0xa6: {  	p0 =	sne.s32 s0, $0x0;
	s0 =	rddreg [dreg:$0x2]  }
0xa7: {  	s0 =	sadd.s32 @!p0 $0x100000, s0  }
0xa8: {  	[sflag:s0] =	ssyncadd.tile.s32 @!p0 $0x1;
	_ =	shalt  }
.Lfunc_end2:
_tile_overlayer_lowered:
.L_overlay_start_2:
0xa9: {  	(tag) =	ssettag $0x2  }
0xaa: {  	s0 =	rddreg [dreg:$0x0];
	s2 =	stileid.u32  }
0xab: {  	s1 =	rddreg [dreg:$0x1];
	p0 =	sne.s32 s2, $0x0  }
0xac: {  	s3 =	rddreg [dreg:$0x2];
	[bflag:$0x3] =	sbarrier.arrive $0xFFFF;
	s2 =	simm.s32 @!p0 $0x1C01  }
0xad: {  	[timem:s3], [sflag:s2] =	dma.local @!p0 [hbm:s0], s1  }
0xae: {  	s0 =	simm.s32 @!p0 $0x1  }
0xaf: {  	_ =	swait.ge @!p0 [sflag:s0], s1  }
0xb0: {  	s1 =	ssub.s32 @!p0 $0x0, s1;
	[sflag:s0] =	ssyncset.done @!p0 $0x0  }
0xb1: {  	[sflag:s0] =	ssyncadd.s32 @!p0 s1  }
0xb2: {  	[bflag:$0x3] =	sbarrier.arrive $0xFFFF  }
0xb3: {  	_ =	shalt  }

// kernel: kernel.7.cloned.1.call-start
scs
__scs_entry_jumppad:
0x0: {  	(pc) =	sbr.rel $0x88, $3  }
0x1: {  	(tag) =	ssettag $0x0;
	lr =	simm.s32 $0x1  }
0x2: {  	[smem:$0x3F9C] =	sst lr;
	_ =	strace $0xD0000000  }
0x3: {  	_ = 	snop  }
0x4: {  	_ = 	snop  }
0x5: {  	_ = 	snop  }
0x6: {  	_ = 	snop  }
0x7: {  	_ = 	snop  }
__scs_overlays_trampoline_lowered:
0x8: {  	[smem:$0x3FAB] =	sst s0  }
0x9: {  	[smem:$0x3FAC] =	sst s1  }
0xa: {  	[smem:$0x3FAD] =	sst s2  }
0xb: {  	[smem:$0x3FAE] =	sst s3  }
0xc: {  	[smem:$0x3FAF] =	sst s4  }
0xd: {  	[smem:$0x3FB0] =	sst s5  }
0xe: {  	[smem:$0x3FB1] =	sst s6  }
0xf: {  	[smem:$0x3FB2] =	sst s7  }
0x10: {  	[smem:$0x3FB3] =	sst s8  }
0x11: {  	[smem:$0x3FB4] =	sst s9;
	s0 =	simm.s32 @!p0 $0x0  }
0x12: {  	s1 =	sld [smem:$0x3F9A];
	s0 =	simm.s32 @p0 $0x1  }
0x13: {  	[smem:$0x3FB5] =	sst s0;
	s0 =	simm.s32 @!p1 $0x0  }
0x14: {  	s2 =	sld [smem:$0x3F99];
	s0 =	simm.s32 @p1 $0x1  }
0x15: {  	[smem:$0x3FB6] =	sst s0;
	s0 =	simm.s32 @!p2 $0x0  }
0x16: {  	s3 =	sld [smem:$0x3FDB];
	s0 =	simm.s32 @p2 $0x1  }
0x17: {  	s4 =	simm.s32 $0x1BF5;
	[smem:$0x3FB8] =	sst s0  }
0x18: {  	s0 =	sld [smem:$0x3F9B];
	_ =	swait.ge [sflag:s4], $0x0  }
0x19: {  	s7 =	sld [smem:$0x3F9C]  }
0x1a: {  	s8 =	sadd.s32 $0xFFFFE003, lr  }
0x1b: {  	s9 =	sadd.s32 $0xFFFFFEF7, lr;
	s5 =	simm.s32 $0xFFFFFFFF;
	p2 =	slt.u32 s8, $0xFFFFF086  }
0x1c: {  	p1 =	slt.u32 s9, $0xF7A;
	s5 =	simm.s32 @!p2 $0x0  }
0x1d: {  	s5 =	simm.s32 @p1 $0x1;
	p0 =	seq.s32 s7, s2  }
0x1e: {  	s7 =	smul.u32 @!p0 $0xF7A, s2;
	p2 =	seq.s32 @!p0 s5, $0x0  }
0x1f: {  	s9 =	smul.u32 $0xF7A, s1;
	s8 =	simm.s32 @!p0 $0x1BF5;
	p2 =	por !p2, p0  }
0x20: {  	[sflag:s8] =	ssyncset.s32 @!p0 $0xFFFFF086;
	s6 =	sadd.s32 @!p0 s3, s7;
	s7 =	simm.s32 @!p0 $0x108  }
0x21: {  	s3 =	sadd.s32 s3, s9;
	s6 =	sadd.s32 @!p0 $0x88, s6;
	s7 =	simm.s32 @p2 $0x1082  }
0x22: {  	[simem:s7], [sflag:s8] =	dma.local @!p0 [hbm:s6], $0xF7A  }
0x23: {  	s9 =	sor.u32 $0xD0000000, s2;
	s6 =	simm.s32 $0x108;
	_ =	swait.ge @!p0 [sflag:s8], $0x0  }
0x24: {  	s3 =	sadd.s32 $0x88, s3;
	s6 =	simm.s32 @!p1 $0x1082;
	[sflag:s4] =	ssyncset.s32 $0xFFFFF086  }
0x25: {  	[simem:s6], [sflag:s4] =	dma.local [hbm:s3], $0xF7A  }
0x26: {  	[smem:$0x3F9C] =	sst s1;
	(tag) =	ssettag s2;
	_ =	strace s9  }
0x27: {  	s1 =	sld [smem:$0x3FAC]  }
0x28: {  	s2 =	sld [smem:$0x3FAD]  }
0x29: {  	s4 =	sld [smem:$0x3FAF]  }
0x2a: {  	p0 =	seq.s32 s5, $0x0;
	s5 =	sld [smem:$0x3FB0]  }
0x2b: {  	s6 =	sld [smem:$0x3FB1]  }
0x2c: {  	s7 =	sld [smem:$0x3FB2]  }
0x2d: {  	s3 =	simm.s32 $0x108;
	s8 =	sld [smem:$0x3FB3]  }
0x2e: {  	s3 =	simm.s32 @!p0 $0x1082;
	s9 =	sld [smem:$0x3FB4]  }
0x2f: {  	lr =	sadd.s32 s0, s3;
	s0 =	sld [smem:$0x3FAB]  }
0x30: {  	s3 =	sld [smem:$0x3FAE]  }
0x31: {  	[smem:$0x3FB7] =	sst s10  }
0x32: {  	s10 =	sld [smem:$0x3FB5];
	_ =	sdelay $0x3  }
0x33: {  	p0 =	seq.s32 s10, $0x1;
	s10 =	sld [smem:$0x3FB7];
	_ =	sdelay $0x3  }
0x34: {  	[smem:$0x3FB7] =	sst s10  }
0x35: {  	s10 =	sld [smem:$0x3FB6];
	_ =	sdelay $0x3  }
0x36: {  	p1 =	seq.s32 s10, $0x1;
	s10 =	sld [smem:$0x3FB7];
	_ =	sdelay $0x3  }
0x37: {  	[smem:$0x3FB7] =	sst s10  }
0x38: {  	s10 =	sld [smem:$0x3FB8]  }
0x39: {  	_ = 	snop;
	(pc) =	sbr.ind lr, $3  }
0x3a: {  	_ = 	snop  }
0x3b: {  	_ = 	snop  }
0x3c: {  	p2 =	seq.s32 s10, $0x1;
	s10 =	sld [smem:$0x3FB7]  }
0x3d: {  	_ =	shalt  }
0x3e: {  	_ =	shalt  }
0x3f: {  	_ =	shalt  }
0x40: {  	_ =	shalt  }
0x41: {  	_ =	shalt  }
0x42: {  	_ =	shalt  }
0x43: {  	_ =	shalt  }
0x44: {  	_ =	shalt  }
0x45: {  	_ =	shalt  }
0x46: {  	_ =	shalt  }
0x47: {  	_ =	shalt  }
0x48: {  	_ =	shalt  }
0x49: {  	_ =	shalt  }
0x4a: {  	_ =	shalt  }
0x4b: {  	_ =	shalt  }
0x4c: {  	_ =	shalt  }
0x4d: {  	_ =	shalt  }
0x4e: {  	_ =	shalt  }
0x4f: {  	_ =	shalt  }
0x50: {  	_ =	shalt  }
0x51: {  	_ =	shalt  }
0x52: {  	_ =	shalt  }
0x53: {  	_ =	shalt  }
0x54: {  	_ =	shalt  }
0x55: {  	_ =	shalt  }
0x56: {  	_ =	shalt  }
0x57: {  	_ =	shalt  }
0x58: {  	_ =	shalt  }
0x59: {  	_ =	shalt  }
0x5a: {  	_ =	shalt  }
0x5b: {  	_ =	shalt  }
0x5c: {  	_ =	shalt  }
0x5d: {  	_ =	shalt  }
0x5e: {  	_ =	shalt  }
0x5f: {  	_ =	shalt  }
0x60: {  	_ =	shalt  }
0x61: {  	_ =	shalt  }
0x62: {  	_ =	shalt  }
0x63: {  	_ =	shalt  }
0x64: {  	_ =	shalt  }
0x65: {  	_ =	shalt  }
0x66: {  	_ =	shalt  }
0x67: {  	_ =	shalt  }
0x68: {  	_ =	shalt  }
0x69: {  	_ =	shalt  }
0x6a: {  	_ =	shalt  }
0x6b: {  	_ =	shalt  }
0x6c: {  	_ =	shalt  }
0x6d: {  	_ =	shalt  }
0x6e: {  	_ =	shalt  }
0x6f: {  	_ =	shalt  }
0x70: {  	_ =	shalt  }
0x71: {  	_ =	shalt  }
0x72: {  	_ =	shalt  }
0x73: {  	_ =	shalt  }
0x74: {  	_ =	shalt  }
0x75: {  	_ =	shalt  }
0x76: {  	_ =	shalt  }
0x77: {  	_ =	shalt  }
0x78: {  	_ =	shalt  }
0x79: {  	_ =	shalt  }
0x7a: {  	_ =	shalt  }
0x7b: {  	_ =	shalt  }
0x7c: {  	_ =	shalt  }
0x7d: {  	_ =	shalt  }
0x7e: {  	_ =	shalt  }
0x7f: {  	_ =	shalt  }
0x80: {  	_ =	shalt  }
0x81: {  	_ =	shalt  }
0x82: {  	_ =	shalt  }
0x83: {  	_ =	shalt  }
0x84: {  	_ =	shalt  }
0x85: {  	_ =	shalt  }
0x86: {  	_ =	shalt  }
0x87: {  	_ =	shalt  }
.Lfunc_end0:
.L_simem_size_0:
called_computation_lowered:
.L_overlay_start_0:
0x88: {  	s2 =	sld [smem:$0x3FD9]  }
0x89: {  	s3 =	sld [smem:$0x3FFE];
	_ =	sdelay $0x1  }
0x8a: {  	s1 =	srdreg.scid  }
0x8b: {  	s0 =	sand.u32 $0x1, s1  }
0x8c: {  	s17 =	sshll.u32 s0, $0xA;
	s2 =	sadd.s32 s3, s2  }
0x8d: {  	s2 =	sadd.s32 s2, s17  }
0x8e: {  	[smem:$0x3FC3] =	sst s2  }
0x8f: {  	_ = 	snop  }
0x90: {  	s2 =	sld [smem:$0x3FD0];
	(tm) =	ssettm $0x1  }
0x91: {  	s18 =	sld [smem:$0x3FFB];
	_ =	sdelay $0x3  }
0x92: {  	_ =	strace s18  }
0x93: {  	s3 =	sld [smem:$0x3FFC];
	_ =	sdelay $0x3  }
0x94: {  	_ =	strace s3  }
0x95: {  	s3 =	sld [smem:$0x3FFD];
	_ =	sdelay $0x3  }
0x96: {  	_ =	strace s3  }
0x97: {  	_ =	strace $0x8FFFFFFF  }
0x98: {  	s19 =	sld [smem:$0x3FDB];
	_ =	sdelay $0x1  }
0x99: {  	s4 =	simm.s32 $_scs_section_size  }
0x9a: {  	s5 =	simm.s32 $_size__tile_overlayer_lowered;
	s6 =	simm.s32 $_tile_overlayer_lowered  }
0x9b: {  	s22 =	simm.s32 $0x1BFF;
	s21 =	sshll.u32 s6, $0x1;
	s3 =	sadd.s32 s4, s19  }
0x9c: {  	s7 =	simm.s32 $0x0;
	s20 =	sshll.u32 s5, $0x1;
	s5 =	sadd.s32 s21, s3  }
0x9d: {  	[timem:s7], [sflag:s22] =	dma.local [hbm:s5], s20  }
0x9e: {  	_ =	swait.ge [sflag:s22], s20  }
0x9f: {  	s4 =	ssub.s32 $0x0, s20;
	[sflag:s22] =	ssyncset.done $0x0  }
0xa0: {  	[sflag:s22] =	ssyncadd.s32 s4;
	_ =	sdelay $0x1  }
0xa1: {  	s23 =	simm.s32 $0x1B8B  }
0xa2: {  	_ =	swait.ge [sflag:s23], $0x1  }
0xa3: {  	[sflag:s23] =	ssyncset.done $0x0  }
0xa4: {  	s25 =	simm.s32 $0x1B8E;
	s24 =	sld [smem:$0x3FFE];
	[sflag:s23] =	ssyncadd.s32 $0xFFFFFFFF  }
0xa5: {  	s26 =	simm.s32 $execute0_lowered;
	[smem:$0x3FD2] =	sst s25  }
0xa6: {  	s5 =	sshll.u32 s26, $0x1;
	_ =	strace $0x80000046;
	[dreg:$0x1] =	wrdreg $0xFFFFFFFF  }
0xa7: {  	s28 =	simm.s32 $_size_execute0_lowered;
	s3 =	sadd.s32 s3, s5;
	[dreg:$0x0] =	wrdreg $0x0  }
0xa8: {  	s5 =	sshll.u32 s28, $0x1;
	[dreg:$0x2] =	wrdreg s3  }
0xa9: {  	[dreg:$0x3] =	wrdreg s5  }
0xaa: {  	[dreg:$0x4] =	wrdreg $0xC0  }
0xab: {  	_ =	task [dreg:s7], $0x5FFFF  }
0xac: {  	[dreg:$0x1] =	wrdreg $0xFFFFFFFF  }
0xad: {  	[dreg:$0x0] =	wrdreg $0x60  }
0xae: {  	[dreg:$0x2] =	wrdreg s2  }
0xaf: {  	[dreg:$0x3] =	wrdreg s24  }
0xb0: {  	[dreg:$0x4] =	wrdreg $0x9  }
0xb1: {  	_ =	task.clear_ibuf [dreg:s7], $0x5FFFF;
	_ =	strace $0x90000046  }
0xb2: {  	s29 =	simm.s32 $0x9;
	_ =	strace $0x80000048  }
0xb3: {  	_ =	swait.ge [sflag:s29], $0x1  }
0xb4: {  	[sflag:s29] =	ssyncadd.s32 $0xFFFFFFFF  }
0xb5: {  	_ =	strace $0x90000048  }
0xb6: {  	_ =	sfence  }
0xb7: {  	s30 =	sld [smem:$0x0];
	_ =	sdelay $0x2  }
0xb8: {  	s31 =	sshll.u32 s1, $0xD;
	s1 =	sshrl.u32 s1, $0x2  }
0xb9: {  	s3 =	sand.u32 $0x4000, s31;
	s1 =	sadd.s32 s1, s30  }
0xba: {  	s0 =	sor.u32 s3, s0;
	s1 =	sshll.u32 s1, $0x11  }
0xbb: {  	s0 =	sor.u32 s1, s0  }
0xbc: {  	s0 =	sadd.s32 $0x8F2B, s0  }
0xbd: {  	[sflag:s0] =	ssyncadd.remote.s32 $0x1  }
0xbe: {  	_ =	sfence.sel $0xFFFF  }
0xbf: {  	[dreg:$0x0] =	wrdreg $0xFFFFFFFF;
	(pc) =	sbr.abs _section_cstart, $3  }
0xc0: {  	[dreg:$0x1] =	wrdreg $0xFFFFFFFF  }
0xc1: {  	_ =	task.clear_ibuf [dreg:s7], $0x2FFFF;
	_ =	strace $0x9FFFFFFF  }
0xc2: {  	(tm) =	ssettm $0x7FFFFFFF  }
0xc3: {  	_ =	shalt  }
tec
execute0_lowered:
.L_overlay_start_1:
0x0: {  	(tag) =	ssettag $0x1  }
0x1: {  	s12 =	stileid.u32;
	s0 =	rddreg [dreg:$0x0]  }
0x2: {  	s1 =	srdreg.scid;
	s3 =	rddreg [dreg:$0x1];
	s13 =	simm.s32 $0x200  }
0x3: {  	s26 =	simm.s32 $0xF80;
	s14 =	simm.s32 $0x780;
	s15 =	simm.s32 $0x1780  }
0x4: {  	s16 =	simm.s32 $0x1F80;
	s17 =	simm.s32 $0x2780;
	s18 =	simm.s32 $0x2F80  }
0x5: {  	s19 =	simm.s32 $0x3780;
	s20 =	simm.s32 $0x3F80;
	s21 =	simm.s32 $0x4780  }
0x6: {  	s28 =	simm.s32 $0x7780;
	s29 =	simm.s32 $0x7F80;
	s31 =	simm.s32 $0x0  }
0x7: {  	s2 =	sshll.u32 s12, $0x1;
	s1 =	sand.u32 $0x1, s1;
	s22 =	sadd.s32 $0x2800, s3  }
0x8: {  	s10 =	sshrl.u32 s12, $0x3;
	s12 =	sand.u32 $0x7, s12;
	s4 =	sand.u32 $0xE, s2  }
0x9: {  	s2 =	simm.s32 $0x0;
	s7 =	ssub.s32 $0x2, s1;
	s8 =	sshll.u32 s10, $0x9  }
0xa: {  	s25 =	sshll.u32 s12, $0xF;
	s12 =	simm.s32 $0x1;
	s5 =	sor.u32 s1, s4  }
0xb: {  	[smem:$0x7FF] =	sst s2;
	s9 =	sshrl.u32 s7, $0x1;
	s8 =	sadd.s32 s8, s3  }
0xc: {  	s0 =	sadd.s32 s25, s0;
	s1 =	sshll.u32 s1, $0xE;
	s25 =	simm.s32 $0x6780  }
0xd: {  	s4 =	sshll.u32 s5, $0x6;
	_ =	strace $0x80000047;
	[dreg:$0x4] =	wrdreg s22  }
0xe: {  	s9 =	ssub.s32 s7, s9;
	s11 =	sshll.u32 s5, $0x5;
	s7 =	sadd.s32 $0x3300, s3  }
0xf: {  	s30 =	sadd.s32 s1, s0;
	[dreg:$0x3] =	wrdreg s26;
	s22 =	simm.s32 $0x4F80  }
0x10: {  	s26 =	simm.s32 $0x6F80;
	s6 =	sadd.s32 s4, s3;
	s4 =	sadd.s32 $0x3200, s3  }
0x11: {  	v1 =	vimm.s32 $0x0;
	v5 =	vlaneseq.u32;
	vm0 =	vmmov $0xffff;
	s24 =	sadd.s32 s11, s8;
	s9 =	smax.u32 s9, $0x1;
	s11 =	simm.s32 $0x400  }
0x12: {  	v2 =	vmul.u32 $0x2, v5;
	v4 =	vshrl.u32 v5, $0x3;
	v3 =	vand.u32 $0x7, v5;
	s23 =	sadd.s32 $0x2A00, s6;
	s6 =	sadd.s32 $0x2E00, s6;
	s8 =	sadd.s32 $0xA3200, s24  }
0x13: {  	v5 =	vor.u32 $0x8, v5;
	v0 =	vmov s10;
	v4 =	vmul.u32 $0x8, v4;
	s24 =	simm.s32 $0x5F80;
	[dreg:$0x5] =	wrdreg s23;
	s23 =	simm.s32 $0x5780  }
.LBB2_1:
0x14: {  	s0 =	rddreg [dreg:$0x4]  }
0x15: {  	[tilespmem:s11], [sflag:$0x1] =	stream.linear.gather [hbm4b:s0+s2], $0x80, $0x38;
	[tilespmem:$0x8780] =	vst v63  }
0x16: {  	_ =	swait.ge [sflag:s12], $0x80  }
0x17: {  	[sflag:s12] =	ssyncset.done $0x0  }
0x18: {  	[sflag:s12] =	ssyncadd.s32 $0xFFFFFF80  }
0x19: {  	v6 =	vld [tilespmem:$0x400];
	_ =	sdelay $0x4  }
0x1a: {  	v6 =	vadd.s32 $0xFF, v6  }
0x1b: {  	v7 =	vshra.s32 v6, $0x1F;
	v8 =	vand.u32 $0xFF, v6  }
0x1c: {  	vm2 =	vlt.s32 v6, $0x1;
	vm1 =	vne.s32 v8, $0x0;
	v7 =	vshrl.u32 v7, $0x18  }
0x1d: {  	v6 =	vadd.s32 v7, v6;
	vm1 =	vmand vm2, vm1  }
0x1e: {  	v6 =	vshrl.u32 v6, $0x8;
	v7 =	vsel vm1, $0xFFFFFFFF, v1  }
0x1f: {  	v6 =	vadd.s32 v7, v6  }
0x20: {  	v6 =	vshll.u32 v6, $0x8  }
0x21: {  	(xrf0) =	vadd.scan.msk.s32 $0xffff, v6;
	_ =	sdelay $0x5  }
0x22: {  	v7, _, _ =	vpop (xrf0)  }
0x23: {  	v6 =	vsub.s32 v7, v6  }
0x24: {  	s10 =	rddreg [dreg:$0x5];
	[tilespmem:$0x400] =	vst v6  }
0x25: {  	[tilespmem:s2], [sflag:$0x1] =	stream.linear.gather [hbm4b:s10+s2], $0x200, $0x38;
	[tilespmem:$0x8780] =	vst v63  }
0x26: {  	_ =	swait.ge [sflag:s12], $0x200  }
0x27: {  	[sflag:s12] =	ssyncset.done $0x0  }
0x28: {  	[sflag:s12] =	ssyncadd.s32 $0xFFFFFE00  }
0x29: {  	[tilespmem:s13], [sflag:$0x1] =	stream.linear.gather [hbm4b:s6+s2], $0x200, $0x38;
	[tilespmem:$0x8780] =	vst v63  }
0x2a: {  	_ =	swait.ge [sflag:s12], $0x200  }
0x2b: {  	s1 =	simm.s32 $0x4A0;
	s3 =	simm.s32 $0x0;
	[sflag:s12] =	ssyncset.done $0x0  }
0x2c: {  	s0 =	simm.s32 $0x6A0;
	s10 =	smov.u32 s30;
	[sflag:s12] =	ssyncadd.s32 $0xFFFFFE00  }
.LBB2_2:
0x2d: {  	v6 =	vmov s3  }
0x2e: {  	v6 =	vshll.u32 v6, $0x1  }
0x2f: {  	v6 =	vor.u32 v2, v6  }
0x30: {  	v6 =	vor.u32 v0, v6;
	_ =	sdelay $0x4  }
0x31: {  	v7 =	vld.idx.msk [tilespmem:v6+s2+$0x0], $0xffff;
	_ =	sdelay $0x6  }
0x32: {  	s5 =	sadd.s32 $0x10, s3;
	v6 =	vld.idx.msk [tilespmem:v6+s13+$0x0], $0xffff  }
0x33: {  	v8 =	vmov s5;
	v7 =	vld.idx.msk [tilespmem:v7+s11+$0x0], $0xffff  }
0x34: {  	v8 =	vshll.u32 v8, $0x1  }
0x35: {  	v8 =	vor.u32 v2, v8  }
0x36: {  	v8 =	vor.u32 v0, v8;
	_ =	sdelay $0x1  }
0x37: {  	v6 =	vadd.s32 v7, v6  }
0x38: {  	[tilespmem:s1+$0xFFFFFFE0] =	vst v6  }
0x39: {  	[tilespmem:s0+$0xFFFFFFE0] =	vst v6  }
0x3a: {  	v6 =	vld.idx.msk [tilespmem:v8+s2+$0x0], $0xffff;
	_ =	sdelay $0x6  }
0x3b: {  	s5 =	sadd.s32 $0x20, s3;
	v7 =	vld.idx.msk [tilespmem:v8+s13+$0x0], $0xffff  }
0x3c: {  	v62 =	vmov s5;
	v6 =	vld.idx.msk [tilespmem:v6+s11+$0x0], $0xffff  }
0x3d: {  	v8 =	vshll.u32 v62, $0x1  }
0x3e: {  	v8 =	vor.u32 v2, v8  }
0x3f: {  	v8 =	vor.u32 v0, v8;
	_ =	sdelay $0x1  }
0x40: {  	v6 =	vadd.s32 v6, v7  }
0x41: {  	[tilespmem:s1+$0xFFFFFFF0] =	vst v6  }
0x42: {  	[tilespmem:s0+$0xFFFFFFF0] =	vst v6  }
0x43: {  	v6 =	vld.idx.msk [tilespmem:v8+s2+$0x0], $0xffff;
	_ =	sdelay $0x6  }
0x44: {  	s5 =	sadd.s32 $0x30, s3;
	v7 =	vld.idx.msk [tilespmem:v8+s13+$0x0], $0xffff  }
0x45: {  	v63 =	vmov s5;
	v6 =	vld.idx.msk [tilespmem:v6+s11+$0x0], $0xffff  }
0x46: {  	v8 =	vshll.u32 v63, $0x1  }
0x47: {  	v8 =	vor.u32 v2, v8  }
0x48: {  	v8 =	vor.u32 v0, v8;
	_ =	sdelay $0x1  }
0x49: {  	v6 =	vadd.s32 v6, v7  }
0x4a: {  	[tilespmem:s1+$0x0] =	vst v6  }
0x4b: {  	[tilespmem:s0+$0x0] =	vst v6  }
0x4c: {  	v6 =	vld.idx.msk [tilespmem:v8+s2+$0x0], $0xffff;
	_ =	sdelay $0x6  }
0x4d: {  	v7 =	vld.idx.msk [tilespmem:v8+s13+$0x0], $0xffff  }
0x4e: {  	v6 =	vld.idx.msk [tilespmem:v6+s11+$0x0], $0xffff;
	_ =	sdelay $0x4  }
0x4f: {  	v6 =	vadd.s32 v6, v7  }
0x50: {  	[tilespmem:s1+$0x10] =	vst v6  }
0x51: {  	[tilespmem:s0+$0x10] =	vst v6  }
0x52: {  	[tilespmem:s14], [sflag:$0x1] =	stream.linear.gather [hbm4b:s10+s2], $0x8000, $0x38;
	[tilespmem:$0x8780] =	vst v63  }
0x53: {  	_ =	swait.ge [sflag:s12], $0x8000  }
0x54: {  	[sflag:s12] =	ssyncset.done $0x0  }
0x55: {  	[sflag:s12] =	ssyncadd.s32 $0xFFFF8000  }
0x56: {  	v6 =	vld [tilespmem:s1+$0xFFFFFFE0];
	_ =	sdelay $0x4  }
0x57: {  	v7 =	vshll.u32 v6, $0x2  }
0x58: {  	v6 =	vand.u32 $0x7, v6;
	v7 =	vand.u32 $0xFFFFFFE0, v7  }
0x59: {  	v6 =	vor.u32 v6, v7  }
0x5a: {  	v7 =	vperm.xlane v6, v3;
	_ =	sdelay $0x1  }
0x5b: {  	v7 =	vadd.s32 v4, v7;
	_ =	sdelay $0x1  }
0x5c: {  	v6 =	vperm.xlane v6, v5;
	_ =	sdelay $0x1  }
0x5d: {  	v6 =	vadd.s32 v4, v6  }
0x5e: {  	[hbm4b:s4+s2] =	stream.indirect_vreg.scatter [tilespmem:s14], [sflag:$0x1], $0x80, v7, vm0, $0xb8;
	[tilespmem:$0x8780] =	vst v63  }
0x5f: {  	s5 =	rddreg [dreg:$0x3]  }
0x60: {  	[hbm4b:s7+s2] =	stream.indirect_vreg.scatter [tilespmem:s5], [sflag:$0x1], $0x80, v7, vm0, $0xb8;
	[tilespmem:$0x8780] =	vst v63  }
0x61: {  	_ = 	snop  }
0x62: {  	[hbm4b:s4+s2] =	stream.indirect_vreg.scatter [tilespmem:s15], [sflag:$0x1], $0x80, v6, vm0, $0xb8;
	[tilespmem:$0x8780] =	vst v63  }
0x63: {  	_ = 	snop  }
0x64: {  	[hbm4b:s7+s2] =	stream.indirect_vreg.scatter [tilespmem:s16], [sflag:$0x1], $0x80, v6, vm0, $0xb8;
	[tilespmem:$0x8780] =	vst v63  }
0x65: {  	v6 =	vld [tilespmem:s1+$0xFFFFFFF0];
	_ =	sdelay $0x4  }
0x66: {  	v7 =	vshll.u32 v6, $0x2  }
0x67: {  	v6 =	vand.u32 $0x7, v6;
	v7 =	vand.u32 $0xFFFFFFE0, v7  }
0x68: {  	v6 =	vor.u32 v6, v7  }
0x69: {  	v7 =	vperm.xlane v6, v3;
	_ =	sdelay $0x1  }
0x6a: {  	v7 =	vadd.s32 v4, v7;
	_ =	sdelay $0x1  }
0x6b: {  	v6 =	vperm.xlane v6, v5;
	_ =	sdelay $0x1  }
0x6c: {  	v6 =	vadd.s32 v4, v6  }
0x6d: {  	[hbm4b:s4+s2] =	stream.indirect_vreg.scatter [tilespmem:s17], [sflag:$0x1], $0x80, v7, vm0, $0xb8;
	[tilespmem:$0x8780] =	vst v63  }
0x6e: {  	_ = 	snop  }
0x6f: {  	[hbm4b:s7+s2] =	stream.indirect_vreg.scatter [tilespmem:s18], [sflag:$0x1], $0x80, v7, vm0, $0xb8;
	[tilespmem:$0x8780] =	vst v63  }
0x70: {  	_ = 	snop  }
0x71: {  	[hbm4b:s4+s2] =	stream.indirect_vreg.scatter [tilespmem:s19], [sflag:$0x1], $0x80, v6, vm0, $0xb8;
	[tilespmem:$0x8780] =	vst v63  }
0x72: {  	_ = 	snop  }
0x73: {  	[hbm4b:s7+s2] =	stream.indirect_vreg.scatter [tilespmem:s20], [sflag:$0x1], $0x80, v6, vm0, $0xb8;
	[tilespmem:$0x8780] =	vst v63  }
0x74: {  	v6 =	vld [tilespmem:s1+$0x0];
	_ =	sdelay $0x4  }
0x75: {  	v7 =	vshll.u32 v6, $0x2  }
0x76: {  	v6 =	vand.u32 $0x7, v6;
	v7 =	vand.u32 $0xFFFFFFE0, v7  }
0x77: {  	v6 =	vor.u32 v6, v7  }
0x78: {  	v7 =	vperm.xlane v6, v3;
	_ =	sdelay $0x1  }
0x79: {  	v7 =	vadd.s32 v4, v7;
	_ =	sdelay $0x1  }
0x7a: {  	v6 =	vperm.xlane v6, v5;
	_ =	sdelay $0x1  }
0x7b: {  	v6 =	vadd.s32 v4, v6  }
0x7c: {  	[hbm4b:s4+s2] =	stream.indirect_vreg.scatter [tilespmem:s21], [sflag:$0x1], $0x80, v7, vm0, $0xb8;
	[tilespmem:$0x8780] =	vst v63  }
0x7d: {  	_ = 	snop  }
0x7e: {  	[hbm4b:s7+s2] =	stream.indirect_vreg.scatter [tilespmem:s22], [sflag:$0x1], $0x80, v7, vm0, $0xb8;
	[tilespmem:$0x8780] =	vst v63  }
0x7f: {  	_ = 	snop  }
0x80: {  	[hbm4b:s4+s2] =	stream.indirect_vreg.scatter [tilespmem:s23], [sflag:$0x1], $0x80, v6, vm0, $0xb8;
	[tilespmem:$0x8780] =	vst v63  }
0x81: {  	_ = 	snop  }
0x82: {  	[hbm4b:s7+s2] =	stream.indirect_vreg.scatter [tilespmem:s24], [sflag:$0x1], $0x80, v6, vm0, $0xb8;
	[tilespmem:$0x8780] =	vst v63  }
0x83: {  	v6 =	vld [tilespmem:s1+$0x10];
	_ =	sdelay $0x4  }
0x84: {  	v7 =	vshll.u32 v6, $0x2  }
0x85: {  	v6 =	vand.u32 $0x7, v6;
	v7 =	vand.u32 $0xFFFFFFE0, v7  }
0x86: {  	v6 =	vor.u32 v6, v7  }
0x87: {  	v7 =	vperm.xlane v6, v3;
	_ =	sdelay $0x1  }
0x88: {  	v7 =	vadd.s32 v4, v7;
	_ =	sdelay $0x1  }
0x89: {  	v6 =	vperm.xlane v6, v5;
	_ =	sdelay $0x1  }
0x8a: {  	v6 =	vadd.s32 v4, v6  }
0x8b: {  	[hbm4b:s4+s2] =	stream.indirect_vreg.scatter [tilespmem:s25], [sflag:$0x1], $0x80, v7, vm0, $0xb8;
	[tilespmem:$0x8780] =	vst v63  }
0x8c: {  	_ = 	snop  }
0x8d: {  	[hbm4b:s7+s2] =	stream.indirect_vreg.scatter [tilespmem:s26], [sflag:$0x1], $0x80, v7, vm0, $0xb8;
	[tilespmem:$0x8780] =	vst v63  }
0x8e: {  	p0 =	sne.s32 s3, $0xC0  }
0x8f: {  	[hbm4b:s4+s2] =	stream.indirect_vreg.scatter [tilespmem:s28], [sflag:$0x1], $0x80, v6, vm0, $0xb8;
	[tilespmem:$0x8780] =	vst v63  }
.Ltmp0:
0x90: {  	_ = 	snop;
	(pc) =	sbr.rel @p0 .LBB2_2-.Ltmp0, $4  }
0x91: {  	[hbm4b:s7+s2] =	stream.indirect_vreg.scatter [tilespmem:s29], [sflag:$0x1], $0x80, v6, vm0, $0xb8;
	[tilespmem:$0x8780] =	vst v63  }
0x92: {  	_ =	swait.ge [sflag:s12], $0x8000  }
0x93: {  	s3 =	sadd.s32 $0x40, s3;
	s0 =	sadd.s32 $0x40, s0;
	[sflag:s12] =	ssyncset.done $0x0  }
0x94: {  	s10 =	sadd.s32 $0x1000, s10;
	s1 =	sadd.s32 $0x80, s1;
	[sflag:s12] =	ssyncadd.s32 $0xFFFF8000  }
0x95: {  	s31 =	sadd.s32 $0x1, s31  }
0x96: {  	p0 =	sne.s32 s31, s9  }
.Ltmp1:
0x97: {  	s0 =	simm.s32 $0x680;
	(pc) =	sbr.rel @p0 .LBB2_1-.Ltmp1, $4  }
0x98: {  	[hbm4b:s8+s2] =	stream.linear.scatter [tilespmem:s0], [sflag:$0x1], $0x100, $0x38;
	[tilespmem:$0x8780] =	vst v63  }
0x99: {  	_ =	swait.ge [sflag:s12], $0x100  }
0x9a: {  	[sflag:s12] =	ssyncset.done $0x0  }
0x9b: {  	[sflag:s12] =	ssyncadd.s32 $0xFFFFFF00  }
0x9c: {  	_ =	sfence.sel $0x180000  }
0x9d: {  	[bflag:$0x0] =	sbarrier.arrive $0xFFFF  }
0x9e: {  	_ =	strace $0x90000047  }
0x9f: {  	s0 =	stileid.u32;
	[bflag:$0x2] =	sbarrier.arrive $0xFFFF  }
0xa0: {  	p0 =	sne.s32 s0, $0x0;
	s0 =	rddreg [dreg:$0x2]  }
0xa1: {  	s0 =	sadd.s32 @!p0 $0x100000, s0  }
0xa2: {  	[sflag:s0] =	ssyncadd.tile.s32 @!p0 $0x1;
	_ =	shalt  }
.Lfunc_end2:
_tile_overlayer_lowered:
.L_overlay_start_2:
0xa3: {  	(tag) =	ssettag $0x2  }
0xa4: {  	s0 =	rddreg [dreg:$0x0];
	s2 =	stileid.u32  }
0xa5: {  	s1 =	rddreg [dreg:$0x1];
	p0 =	sne.s32 s2, $0x0  }
0xa6: {  	s3 =	rddreg [dreg:$0x2];
	[bflag:$0x3] =	sbarrier.arrive $0xFFFF;
	s2 =	simm.s32 @!p0 $0x1C01  }
0xa7: {  	[timem:s3], [sflag:s2] =	dma.local @!p0 [hbm:s0], s1  }
0xa8: {  	s0 =	simm.s32 @!p0 $0x1  }
0xa9: {  	_ =	swait.ge @!p0 [sflag:s0], s1  }
0xaa: {  	s1 =	ssub.s32 @!p0 $0x0, s1;
	[sflag:s0] =	ssyncset.done @!p0 $0x0  }
0xab: {  	[sflag:s0] =	ssyncadd.s32 @!p0 s1  }
0xac: {  	[bflag:$0x3] =	sbarrier.arrive $0xFFFF  }
0xad: {  	_ =	shalt  }

</sc_bundles>
